<compile_context>
chip_gen: v7x
topology: tpu7x:2x2x1
jax: 0.10.2.dev20260603
libtpu: 0.0.44.dev20260713+nightly
codegen_flags: <defaults>
</compile_context>

<pallas_src>
import functools

import jax
import jax.numpy as jnp
from jax import lax
from jax.experimental import pallas as pl
from jax.experimental.pallas import tpu as pltpu
from jax.experimental.pallas import tpu_sc as plsc

L = 16
NC = 2
NS = 16
NW = NC * NS
R = 8
NBUF = 4


def _make_kernel(T, N, NU):
    rows_per_w = T // NW
    nb = rows_per_w // R
    assert rows_per_w * NW == T and nb * R == rows_per_w
    assert NU % L == 0

    mesh = plsc.VectorSubcoreMesh(
        core_axis_name="c", subcore_axis_name="s", num_cores=NC, num_subcores=NS
    )

    @functools.partial(
        pl.kernel,
        out_type=jax.ShapeDtypeStruct((T, N), jnp.float32),
        mesh=mesh,
        compiler_params=pltpu.CompilerParams(needs_layout_passes=False),
        scratch_types=(
            [pltpu.VMEM((NU,), jnp.int32)]
            + [pltpu.VMEM((R, N), jnp.float32)] * NBUF
            + [pltpu.VMEM((R, NU), jnp.float32)] * NBUF
            + [
                pltpu.SemaphoreType.DMA((NBUF,)),
                pltpu.SemaphoreType.DMA((NBUF,)),
                pltpu.SemaphoreType.DMA((NBUF,)),
            ]
        ),
    )
    def k(uo_hbm, uu_hbm, idx_hbm, out_hbm, idx_v, *rest):
        obs = rest[:NBUF]
        ubs = rest[NBUF : 2 * NBUF]
        s_o, s_u, s_w = rest[2 * NBUF :]
        wid = lax.axis_index("s") * NC + lax.axis_index("c")
        row0 = wid * rows_per_w

        pltpu.sync_copy(idx_hbm, idx_v)

        def in_start(g, p):
            off = row0 + g * R
            pltpu.async_copy(uo_hbm.at[pl.ds(off, R)], obs[p], s_o.at[p])
            pltpu.async_copy(uu_hbm.at[pl.ds(off, R)], ubs[p], s_u.at[p])

        def in_wait(g, p):
            off = row0 + g * R
            pltpu.make_async_copy(uo_hbm.at[pl.ds(off, R)], obs[p], s_o.at[p]).wait()
            pltpu.make_async_copy(uu_hbm.at[pl.ds(off, R)], ubs[p], s_u.at[p]).wait()

        def out_start(g, p):
            off = row0 + g * R
            pltpu.async_copy(obs[p], out_hbm.at[pl.ds(off, R)], s_w.at[p])

        def out_wait(g, p):
            off = row0 + g * R
            pltpu.make_async_copy(obs[p], out_hbm.at[pl.ds(off, R)], s_w.at[p]).wait()

        for p in range(NBUF - 1):
            in_start(p, p)

        def giter(g, p):
            in_wait(g, p)
            ob = obs[p]
            ub = ubs[p]

            nchunk = NU // L

            @plsc.parallel_loop(0, R * nchunk, step=1, unroll=8)
            def _(i):
                r = i >> (nchunk - 1).bit_length()
                jb = (i & (nchunk - 1)) * L
                ii = idx_v[pl.ds(jb, L)]
                vals = ub[r, pl.ds(jb, L)]
                rvec = jnp.zeros((L,), jnp.int32) + r
                plsc.addupdate_scatter(ob, [rvec, ii], vals)

            out_start(g, p)

            nxt = g + (NBUF - 1)
            q = (p + NBUF - 1) % NBUF

            @pl.when(nxt < nb)
            def _():
                @pl.when(nxt >= NBUF)
                def _():
                    out_wait(nxt - NBUF, q)

                in_start(nxt, q)

        def outer(G, carry):
            for kk in range(NBUF):
                giter(G * NBUF + kk, kk)
            return carry

        lax.fori_loop(0, nb // NBUF, outer, 0)

        for kk in range(NBUF):
            out_wait(nb - NBUF + kk, kk)

    return k


def kernel(u_obs, u_unobs, unobs_idx):
    T, N = u_obs.shape
    NU = u_unobs.shape[1]
    k = _make_kernel(T, N, NU)
    return k(u_obs, u_unobs, unobs_idx.astype(jnp.int32))

# --- scband reference (transcript-rebuilt; emitter-appended) ---
"""Pipeline reference for scband-worm-state-64596308132042 (READ-ONLY COPY).

The authoritative reference and input builder live on the scoring server;
editing this copy changes nothing except your own understanding.
"""

import jax, jax.numpy as jnp
import numpy as np

T = 16384
N = 2048
N_UNOBS = 1024

def setup_inputs(seed: int = 0) -> dict:
    key = jax.random.key(seed)
    k1, k2 = jax.random.split(key, 2)
    u_obs = jax.random.normal(k1, (T, N), dtype=jnp.float32)
    u_unobs = jax.random.normal(k2, (T, N_UNOBS), dtype=jnp.float32)
    # arange fill: deterministic, unique, in-range indices (< N)
    unobs_idx = jnp.arange(N_UNOBS, dtype=jnp.int64) if jax.config.jax_enable_x64 else jnp.arange(N_UNOBS, dtype=jnp.int32)
    return {"u_obs": u_obs, "u_unobs": u_unobs, "unobs_idx": unobs_idx}

def reference(u_obs, u_unobs, unobs_idx):
    # WormState.assemble():
    #   zeros = torch.zeros(T, N); u_unobs_full = zeros.index_copy(1, unobs_idx, u_unobs)
    #   return u_obs + u_unobs_full
    zeros = jnp.zeros((u_obs.shape[0], u_obs.shape[1]), dtype=jnp.float32)
    u_unobs_full = zeros.at[:, unobs_idx].set(u_unobs)  # scatter-overwrite along columns
    return u_obs + u_unobs_full

if __name__ == "__main__":
    import jax
    _d = setup_inputs()
    print(jax.jit(kernel)(*tuple(_d.values())))

</pallas_src>

<mosaic_0001>
#map = affine_map<(d0, d1) -> (0, 0)>
#map1 = affine_map<(d0, d1) -> (0)>
module attributes {stable_mosaic.version = 14 : i64} {
  func.func @k(%arg0: i32, %arg1: i32, %arg2: memref<16384x2048xf32, #tpu.memory_space<hbm>>, %arg3: memref<16384x1024xf32, #tpu.memory_space<hbm>>, %arg4: memref<1024xi32, #tpu.memory_space<hbm>>, %arg5: memref<16384x2048xf32, #tpu.memory_space<hbm>>, %arg6: memref<1024xi32, #tpu.memory_space<vmem>>, %arg7: memref<8x2048xf32, #tpu.memory_space<vmem>>, %arg8: memref<8x2048xf32, #tpu.memory_space<vmem>>, %arg9: memref<8x2048xf32, #tpu.memory_space<vmem>>, %arg10: memref<8x2048xf32, #tpu.memory_space<vmem>>, %arg11: memref<8x1024xf32, #tpu.memory_space<vmem>>, %arg12: memref<8x1024xf32, #tpu.memory_space<vmem>>, %arg13: memref<8x1024xf32, #tpu.memory_space<vmem>>, %arg14: memref<8x1024xf32, #tpu.memory_space<vmem>>, %arg15: memref<4x!tpu.dma_semaphore, #tpu.memory_space<semaphore_mem>>, %arg16: memref<4x!tpu.dma_semaphore, #tpu.memory_space<semaphore_mem>>, %arg17: memref<4x!tpu.dma_semaphore, #tpu.memory_space<semaphore_mem>>) attributes {dimension_semantics = [#tpu.dimension_semantics<core_parallel>, #tpu.dimension_semantics<subcore_parallel>], iteration_bounds = array<i64: 2, 16>, scalar_prefetch = 0 : i64, scratch_operands = 12 : i64, tpu.core_type = #tpu.core_type<sc_vector_subcore>, window_params = [{transform_indices = #map}, {transform_indices = #map}, {transform_indices = #map1}, {transform_indices = #map}]} {
    %mul3A = arith.constant 2 : i32
    %mul3A_0 = arith.muli %arg1, %mul3A : i32
    %add3A = arith.addi %mul3A_0, %arg0 : i32
    %mul3A_1 = arith.constant 512 : i32
    %mul3A_2 = arith.muli %add3A, %mul3A_1 : i32
    "tpu.region"() ({
      %run_scoped3A = tpu.sem_alloc : memref<!tpu.dma_semaphore, #tpu.memory_space<semaphore_mem>>
      tpu.enqueue_dma source(%arg4 : memref<1024xi32, #tpu.memory_space<hbm>>) target(%arg6 : memref<1024xi32, #tpu.memory_space<vmem>>) target_semaphore(%run_scoped3A : memref<!tpu.dma_semaphore, #tpu.memory_space<semaphore_mem>>)
      tpu.wait_dma2 semaphore(%run_scoped3A : memref<!tpu.dma_semaphore, #tpu.memory_space<semaphore_mem>>) src(%arg4 : memref<1024xi32, #tpu.memory_space<hbm>>) dst(%arg6 : memref<1024xi32, #tpu.memory_space<vmem>>)
      tpu.yield
    }) : () -> ()
    %add3A_3 = arith.constant 0 : i32
    %add3A_4 = arith.addi %mul3A_2, %add3A_3 : i32
    %dma_start3A = arith.constant 0 : i32
    %dma_start3A_5 = arith.constant 0 : i32
    %dma_start3A_6 = tpu.memref_slice %arg2[%add3A_4, %dma_start3A_5] : memref<16384x2048xf32, #tpu.memory_space<hbm>> -> memref<8x2048xf32, #tpu.memory_space<hbm>>
    %dma_start3A_7 = tpu.memref_slice %arg15[%dma_start3A] : memref<4x!tpu.dma_semaphore, #tpu.memory_space<semaphore_mem>> -> memref<1x!tpu.dma_semaphore, #tpu.memory_space<semaphore_mem>>
    %dma_start3A_8 = tpu.memref_squeeze %dma_start3A_7 : memref<1x!tpu.dma_semaphore, #tpu.memory_space<semaphore_mem>> -> memref<!tpu.dma_semaphore, #tpu.memory_space<semaphore_mem>>
    %dma_start3A_9 = arith.constant 0 : i32
    %dma_start3A_10 = tpu.memref_slice %arg2[%add3A_4, %dma_start3A_9] : memref<16384x2048xf32, #tpu.memory_space<hbm>> -> memref<8x2048xf32, #tpu.memory_space<hbm>>
    tpu.enqueue_dma source(%dma_start3A_10 : memref<8x2048xf32, #tpu.memory_space<hbm>>) target(%arg7 : memref<8x2048xf32, #tpu.memory_space<vmem>>) target_semaphore(%dma_start3A_8 : memref<!tpu.dma_semaphore, #tpu.memory_space<semaphore_mem>>)
    %dma_start3A_11 = arith.constant 0 : i32
    %dma_start3A_12 = arith.constant 0 : i32
    %dma_start3A_13 = tpu.memref_slice %arg3[%add3A_4, %dma_start3A_12] : memref<16384x1024xf32, #tpu.memory_space<hbm>> -> memref<8x1024xf32, #tpu.memory_space<hbm>>
    %dma_start3A_14 = tpu.memref_slice %arg16[%dma_start3A_11] : memref<4x!tpu.dma_semaphore, #tpu.memory_space<semaphore_mem>> -> memref<1x!tpu.dma_semaphore, #tpu.memory_space<semaphore_mem>>
    %dma_start3A_15 = tpu.memref_squeeze %dma_start3A_14 : memref<1x!tpu.dma_semaphore, #tpu.memory_space<semaphore_mem>> -> memref<!tpu.dma_semaphore, #tpu.memory_space<semaphore_mem>>
    %dma_start3A_16 = arith.constant 0 : i32
    %dma_start3A_17 = tpu.memref_slice %arg3[%add3A_4, %dma_start3A_16] : memref<16384x1024xf32, #tpu.memory_space<hbm>> -> memref<8x1024xf32, #tpu.memory_space<hbm>>
    tpu.enqueue_dma source(%dma_start3A_17 : memref<8x1024xf32, #tpu.memory_space<hbm>>) target(%arg11 : memref<8x1024xf32, #tpu.memory_space<vmem>>) target_semaphore(%dma_start3A_15 : memref<!tpu.dma_semaphore, #tpu.memory_space<semaphore_mem>>)
    %add3A_18 = arith.constant 8 : i32
    %add3A_19 = arith.addi %mul3A_2, %add3A_18 : i32
    %dma_start3A_20 = arith.constant 1 : i32
    %dma_start3A_21 = arith.constant 0 : i32
    %dma_start3A_22 = tpu.memref_slice %arg2[%add3A_19, %dma_start3A_21] : memref<16384x2048xf32, #tpu.memory_space<hbm>> -> memref<8x2048xf32, #tpu.memory_space<hbm>>
    %dma_start3A_23 = tpu.memref_slice %arg15[%dma_start3A_20] : memref<4x!tpu.dma_semaphore, #tpu.memory_space<semaphore_mem>> -> memref<1x!tpu.dma_semaphore, #tpu.memory_space<semaphore_mem>>
    %dma_start3A_24 = tpu.memref_squeeze %dma_start3A_23 : memref<1x!tpu.dma_semaphore, #tpu.memory_space<semaphore_mem>> -> memref<!tpu.dma_semaphore, #tpu.memory_space<semaphore_mem>>
    %dma_start3A_25 = arith.constant 0 : i32
    %dma_start3A_26 = tpu.memref_slice %arg2[%add3A_19, %dma_start3A_25] : memref<16384x2048xf32, #tpu.memory_space<hbm>> -> memref<8x2048xf32, #tpu.memory_space<hbm>>
    tpu.enqueue_dma source(%dma_start3A_26 : memref<8x2048xf32, #tpu.memory_space<hbm>>) target(%arg8 : memref<8x2048xf32, #tpu.memory_space<vmem>>) target_semaphore(%dma_start3A_24 : memref<!tpu.dma_semaphore, #tpu.memory_space<semaphore_mem>>)
    %dma_start3A_27 = arith.constant 1 : i32
    %dma_start3A_28 = arith.constant 0 : i32
    %dma_start3A_29 = tpu.memref_slice %arg3[%add3A_19, %dma_start3A_28] : memref<16384x1024xf32, #tpu.memory_space<hbm>> -> memref<8x1024xf32, #tpu.memory_space<hbm>>
    %dma_start3A_30 = tpu.memref_slice %arg16[%dma_start3A_27] : memref<4x!tpu.dma_semaphore, #tpu.memory_space<semaphore_mem>> -> memref<1x!tpu.dma_semaphore, #tpu.memory_space<semaphore_mem>>
    %dma_start3A_31 = tpu.memref_squeeze %dma_start3A_30 : memref<1x!tpu.dma_semaphore, #tpu.memory_space<semaphore_mem>> -> memref<!tpu.dma_semaphore, #tpu.memory_space<semaphore_mem>>
    %dma_start3A_32 = arith.constant 0 : i32
    %dma_start3A_33 = tpu.memref_slice %arg3[%add3A_19, %dma_start3A_32] : memref<16384x1024xf32, #tpu.memory_space<hbm>> -> memref<8x1024xf32, #tpu.memory_space<hbm>>
    tpu.enqueue_dma source(%dma_start3A_33 : memref<8x1024xf32, #tpu.memory_space<hbm>>) target(%arg12 : memref<8x1024xf32, #tpu.memory_space<vmem>>) target_semaphore(%dma_start3A_31 : memref<!tpu.dma_semaphore, #tpu.memory_space<semaphore_mem>>)
    %add3A_34 = arith.constant 16 : i32
    %add3A_35 = arith.addi %mul3A_2, %add3A_34 : i32
    %dma_start3A_36 = arith.constant 2 : i32
    %dma_start3A_37 = arith.constant 0 : i32
    %dma_start3A_38 = tpu.memref_slice %arg2[%add3A_35, %dma_start3A_37] : memref<16384x2048xf32, #tpu.memory_space<hbm>> -> memref<8x2048xf32, #tpu.memory_space<hbm>>
    %dma_start3A_39 = tpu.memref_slice %arg15[%dma_start3A_36] : memref<4x!tpu.dma_semaphore, #tpu.memory_space<semaphore_mem>> -> memref<1x!tpu.dma_semaphore, #tpu.memory_space<semaphore_mem>>
    %dma_start3A_40 = tpu.memref_squeeze %dma_start3A_39 : memref<1x!tpu.dma_semaphore, #tpu.memory_space<semaphore_mem>> -> memref<!tpu.dma_semaphore, #tpu.memory_space<semaphore_mem>>
    %dma_start3A_41 = arith.constant 0 : i32
    %dma_start3A_42 = tpu.memref_slice %arg2[%add3A_35, %dma_start3A_41] : memref<16384x2048xf32, #tpu.memory_space<hbm>> -> memref<8x2048xf32, #tpu.memory_space<hbm>>
    tpu.enqueue_dma source(%dma_start3A_42 : memref<8x2048xf32, #tpu.memory_space<hbm>>) target(%arg9 : memref<8x2048xf32, #tpu.memory_space<vmem>>) target_semaphore(%dma_start3A_40 : memref<!tpu.dma_semaphore, #tpu.memory_space<semaphore_mem>>)
    %dma_start3A_43 = arith.constant 2 : i32
    %dma_start3A_44 = arith.constant 0 : i32
    %dma_start3A_45 = tpu.memref_slice %arg3[%add3A_35, %dma_start3A_44] : memref<16384x1024xf32, #tpu.memory_space<hbm>> -> memref<8x1024xf32, #tpu.memory_space<hbm>>
    %dma_start3A_46 = tpu.memref_slice %arg16[%dma_start3A_43] : memref<4x!tpu.dma_semaphore, #tpu.memory_space<semaphore_mem>> -> memref<1x!tpu.dma_semaphore, #tpu.memory_space<semaphore_mem>>
    %dma_start3A_47 = tpu.memref_squeeze %dma_start3A_46 : memref<1x!tpu.dma_semaphore, #tpu.memory_space<semaphore_mem>> -> memref<!tpu.dma_semaphore, #tpu.memory_space<semaphore_mem>>
    %dma_start3A_48 = arith.constant 0 : i32
    %dma_start3A_49 = tpu.memref_slice %arg3[%add3A_35, %dma_start3A_48] : memref<16384x1024xf32, #tpu.memory_space<hbm>> -> memref<8x1024xf32, #tpu.memory_space<hbm>>
    tpu.enqueue_dma source(%dma_start3A_49 : memref<8x1024xf32, #tpu.memory_space<hbm>>) target(%arg13 : memref<8x1024xf32, #tpu.memory_space<vmem>>) target_semaphore(%dma_start3A_47 : memref<!tpu.dma_semaphore, #tpu.memory_space<semaphore_mem>>)
    %scan3A = arith.constant 0 : i32
    %scan3A_50 = arith.constant 0 : i32
    %scan3A_51 = arith.constant 16 : i32
    %scan3A_52 = arith.addi %scan3A_50, %scan3A_51 : i32
    %scan3A_53 = arith.constant 1 : i32
    scf.for %scan3A_90 = %scan3A_50 to %scan3A_52 step %scan3A_53  : i32 {
      %mul3A_91 = arith.constant 4 : i32
      %mul3A_92 = arith.muli %scan3A_90, %mul3A_91 : i32
      %add3A_93 = arith.constant 0 : i32
      %add3A_94 = arith.addi %mul3A_92, %add3A_93 : i32
      %mul3A_95 = arith.constant 8 : i32
      %mul3A_96 = arith.muli %add3A_94, %mul3A_95 : i32
      %add3A_97 = arith.addi %mul3A_2, %mul3A_96 : i32
      %dma_wait3A_98 = arith.constant 0 : i32
      %dma_wait3A_99 = arith.constant 0 : i32
      %dma_wait3A_100 = tpu.memref_slice %arg2[%add3A_97, %dma_wait3A_99] : memref<16384x2048xf32, #tpu.memory_space<hbm>> -> memref<8x2048xf32, #tpu.memory_space<hbm>>
      %dma_wait3A_101 = tpu.memref_slice %arg15[%dma_wait3A_98] : memref<4x!tpu.dma_semaphore, #tpu.memory_space<semaphore_mem>> -> memref<1x!tpu.dma_semaphore, #tpu.memory_space<semaphore_mem>>
      %dma_wait3A_102 = tpu.memref_squeeze %dma_wait3A_101 : memref<1x!tpu.dma_semaphore, #tpu.memory_space<semaphore_mem>> -> memref<!tpu.dma_semaphore, #tpu.memory_space<semaphore_mem>>
      %dma_wait3A_103 = arith.constant 0 : i32
      %dma_wait3A_104 = tpu.memref_slice %arg2[%add3A_97, %dma_wait3A_103] : memref<16384x2048xf32, #tpu.memory_space<hbm>> -> memref<8x2048xf32, #tpu.memory_space<hbm>>
      tpu.wait_dma2 semaphore(%dma_wait3A_102 : memref<!tpu.dma_semaphore, #tpu.memory_space<semaphore_mem>>) src(%dma_wait3A_104 : memref<8x2048xf32, #tpu.memory_space<hbm>>) dst(%arg7 : memref<8x2048xf32, #tpu.memory_space<vmem>>)
      %dma_wait3A_105 = arith.constant 0 : i32
      %dma_wait3A_106 = arith.constant 0 : i32
      %dma_wait3A_107 = tpu.memref_slice %arg3[%add3A_97, %dma_wait3A_106] : memref<16384x1024xf32, #tpu.memory_space<hbm>> -> memref<8x1024xf32, #tpu.memory_space<hbm>>
      %dma_wait3A_108 = tpu.memref_slice %arg16[%dma_wait3A_105] : memref<4x!tpu.dma_semaphore, #tpu.memory_space<semaphore_mem>> -> memref<1x!tpu.dma_semaphore, #tpu.memory_space<semaphore_mem>>
      %dma_wait3A_109 = tpu.memref_squeeze %dma_wait3A_108 : memref<1x!tpu.dma_semaphore, #tpu.memory_space<semaphore_mem>> -> memref<!tpu.dma_semaphore, #tpu.memory_space<semaphore_mem>>
      %dma_wait3A_110 = arith.constant 0 : i32
      %dma_wait3A_111 = tpu.memref_slice %arg3[%add3A_97, %dma_wait3A_110] : memref<16384x1024xf32, #tpu.memory_space<hbm>> -> memref<8x1024xf32, #tpu.memory_space<hbm>>
      tpu.wait_dma2 semaphore(%dma_wait3A_109 : memref<!tpu.dma_semaphore, #tpu.memory_space<semaphore_mem>>) src(%dma_wait3A_111 : memref<8x1024xf32, #tpu.memory_space<hbm>>) dst(%arg11 : memref<8x1024xf32, #tpu.memory_space<vmem>>)
      %parallel_loop3A = arith.constant 0 : i32
      %parallel_loop3A_112 = arith.constant 512 : i32
      %parallel_loop3A_113 = arith.constant 1 : i32
      scf.for %parallel_loop3A_251 = %parallel_loop3A to %parallel_loop3A_112 step %parallel_loop3A_113  : i32 {
        %parallel_loop3A_252 = arith.constant 6 : i32
        %parallel_loop3A_253 = arith.shrsi %parallel_loop3A_251, %parallel_loop3A_252 : i32
        %parallel_loop3A_254 = arith.constant 63 : i32
        %parallel_loop3A_255 = arith.andi %parallel_loop3A_251, %parallel_loop3A_254 : i32
        %parallel_loop3A_256 = arith.constant 16 : i32
        %parallel_loop3A_257 = arith.muli %parallel_loop3A_255, %parallel_loop3A_256 : i32
        %parallel_loop3A_258 = arith.index_cast %parallel_loop3A_257 : i32 to index
        %parallel_loop3A_259 = tpu.vector_load %arg6[%parallel_loop3A_258] {strides = array<i32>} : memref<1024xi32, #tpu.memory_space<vmem>>, vector<16xi32>,
        %parallel_loop3A_260 = arith.index_cast %parallel_loop3A_253 : i32 to index
        %parallel_loop3A_261 = arith.index_cast %parallel_loop3A_257 : i32 to index
        %parallel_loop3A_262 = tpu.vector_load %arg11[%parallel_loop3A_260, %parallel_loop3A_261] {strides = array<i32>} : memref<8x1024xf32, #tpu.memory_space<vmem>>, vector<16xf32>,
        %parallel_loop3A_263 = arith.constant 0 : i32
        %parallel_loop3A_264 = vector.broadcast %parallel_loop3A_263 : i32 to vector<16xi32>
        %parallel_loop3A_265 = vector.broadcast %parallel_loop3A_253 : i32 to vector<16xi32>
        %parallel_loop3A_266 = arith.addi %parallel_loop3A_264, %parallel_loop3A_265 : vector<16xi32>
        tpu.vector_store_idx %arg7[%parallel_loop3A_266, %parallel_loop3A_259], %parallel_loop3A_262 {add = true} : memref<8x2048xf32, #tpu.memory_space<vmem>>[vector<16xi32>, vector<16xi32>], vector<16xf32>,
      } {sc.loop_unroll_factor = 8 : i64, sc.parallel_access}
      %mul3A_114 = arith.constant 8 : i32
      %mul3A_115 = arith.muli %add3A_94, %mul3A_114 : i32
      %add3A_116 = arith.addi %mul3A_2, %mul3A_115 : i32
      %dma_start3A_117 = arith.constant 0 : i32
      %dma_start3A_118 = arith.constant 0 : i32
      %dma_start3A_119 = tpu.memref_slice %arg5[%add3A_116, %dma_start3A_118] : memref<16384x2048xf32, #tpu.memory_space<hbm>> -> memref<8x2048xf32, #tpu.memory_space<hbm>>
      %dma_start3A_120 = tpu.memref_slice %arg17[%dma_start3A_117] : memref<4x!tpu.dma_semaphore, #tpu.memory_space<semaphore_mem>> -> memref<1x!tpu.dma_semaphore, #tpu.memory_space<semaphore_mem>>
      %dma_start3A_121 = tpu.memref_squeeze %dma_start3A_120 : memref<1x!tpu.dma_semaphore, #tpu.memory_space<semaphore_mem>> -> memref<!tpu.dma_semaphore, #tpu.memory_space<semaphore_mem>>
      %dma_start3A_122 = arith.constant 0 : i32
      %dma_start3A_123 = tpu.memref_slice %arg5[%add3A_116, %dma_start3A_122] : memref<16384x2048xf32, #tpu.memory_space<hbm>> -> memref<8x2048xf32, #tpu.memory_space<hbm>>
      tpu.enqueue_dma source(%arg7 : memref<8x2048xf32, #tpu.memory_space<vmem>>) target(%dma_start3A_123 : memref<8x2048xf32, #tpu.memory_space<hbm>>) target_semaphore(%dma_start3A_121 : memref<!tpu.dma_semaphore, #tpu.memory_space<semaphore_mem>>)
      %add3A_124 = arith.constant 3 : i32
      %add3A_125 = arith.addi %add3A_94, %add3A_124 : i32
      %lt3A = arith.constant 64 : i32
      %lt3A_126 = arith.cmpi slt, %add3A_125, %lt3A : i32
      %convert_element_type3A = arith.extui %lt3A_126 : i1 to i32
      %cond3A = arith.constant 0 : i32
      %cond3A_127 = arith.cmpi ne, %convert_element_type3A, %cond3A : i32
      scf.if %cond3A_127 {
        %ge3A = arith.constant 4 : i32
        %ge3A_251 = arith.cmpi sge, %add3A_125, %ge3A : i32
        %convert_element_type3A_252 = arith.extui %ge3A_251 : i1 to i32
        %cond3A_253 = arith.constant 0 : i32
        %cond3A_254 = arith.cmpi ne, %convert_element_type3A_252, %cond3A_253 : i32
        scf.if %cond3A_254 {
          %sub3A = arith.constant 4 : i32
          %sub3A_272 = arith.subi %add3A_125, %sub3A : i32
          %mul3A_273 = arith.constant 8 : i32
          %mul3A_274 = arith.muli %sub3A_272, %mul3A_273 : i32
          %add3A_275 = arith.addi %mul3A_2, %mul3A_274 : i32
          %dma_wait3A_276 = arith.constant 3 : i32
          %dma_wait3A_277 = arith.constant 0 : i32
          %dma_wait3A_278 = tpu.memref_slice %arg5[%add3A_275, %dma_wait3A_277] : memref<16384x2048xf32, #tpu.memory_space<hbm>> -> memref<8x2048xf32, #tpu.memory_space<hbm>>
          %dma_wait3A_279 = tpu.memref_slice %arg17[%dma_wait3A_276] : memref<4x!tpu.dma_semaphore, #tpu.memory_space<semaphore_mem>> -> memref<1x!tpu.dma_semaphore, #tpu.memory_space<semaphore_mem>>
          %dma_wait3A_280 = tpu.memref_squeeze %dma_wait3A_279 : memref<1x!tpu.dma_semaphore, #tpu.memory_space<semaphore_mem>> -> memref<!tpu.dma_semaphore, #tpu.memory_space<semaphore_mem>>
          %dma_wait3A_281 = arith.constant 0 : i32
          %dma_wait3A_282 = tpu.memref_slice %arg5[%add3A_275, %dma_wait3A_281] : memref<16384x2048xf32, #tpu.memory_space<hbm>> -> memref<8x2048xf32, #tpu.memory_space<hbm>>
          tpu.wait_dma2 semaphore(%dma_wait3A_280 : memref<!tpu.dma_semaphore, #tpu.memory_space<semaphore_mem>>) src(%arg10 : memref<8x2048xf32, #tpu.memory_space<vmem>>) dst(%dma_wait3A_282 : memref<8x2048xf32, #tpu.memory_space<hbm>>)
        } else {
        }
        %mul3A_255 = arith.constant 8 : i32
        %mul3A_256 = arith.muli %add3A_125, %mul3A_255 : i32
        %add3A_257 = arith.addi %mul3A_2, %mul3A_256 : i32
        %dma_start3A_258 = arith.constant 3 : i32
        %dma_start3A_259 = arith.constant 0 : i32
        %dma_start3A_260 = tpu.memref_slice %arg2[%add3A_257, %dma_start3A_259] : memref<16384x2048xf32, #tpu.memory_space<hbm>> -> memref<8x2048xf32, #tpu.memory_space<hbm>>
        %dma_start3A_261 = tpu.memref_slice %arg15[%dma_start3A_258] : memref<4x!tpu.dma_semaphore, #tpu.memory_space<semaphore_mem>> -> memref<1x!tpu.dma_semaphore, #tpu.memory_space<semaphore_mem>>
        %dma_start3A_262 = tpu.memref_squeeze %dma_start3A_261 : memref<1x!tpu.dma_semaphore, #tpu.memory_space<semaphore_mem>> -> memref<!tpu.dma_semaphore, #tpu.memory_space<semaphore_mem>>
        %dma_start3A_263 = arith.constant 0 : i32
        %dma_start3A_264 = tpu.memref_slice %arg2[%add3A_257, %dma_start3A_263] : memref<16384x2048xf32, #tpu.memory_space<hbm>> -> memref<8x2048xf32, #tpu.memory_space<hbm>>
        tpu.enqueue_dma source(%dma_start3A_264 : memref<8x2048xf32, #tpu.memory_space<hbm>>) target(%arg10 : memref<8x2048xf32, #tpu.memory_space<vmem>>) target_semaphore(%dma_start3A_262 : memref<!tpu.dma_semaphore, #tpu.memory_space<semaphore_mem>>)
        %dma_start3A_265 = arith.constant 3 : i32
        %dma_start3A_266 = arith.constant 0 : i32
        %dma_start3A_267 = tpu.memref_slice %arg3[%add3A_257, %dma_start3A_266] : memref<16384x1024xf32, #tpu.memory_space<hbm>> -> memref<8x1024xf32, #tpu.memory_space<hbm>>
        %dma_start3A_268 = tpu.memref_slice %arg16[%dma_start3A_265] : memref<4x!tpu.dma_semaphore, #tpu.memory_space<semaphore_mem>> -> memref<1x!tpu.dma_semaphore, #tpu.memory_space<semaphore_mem>>
        %dma_start3A_269 = tpu.memref_squeeze %dma_start3A_268 : memref<1x!tpu.dma_semaphore, #tpu.memory_space<semaphore_mem>> -> memref<!tpu.dma_semaphore, #tpu.memory_space<semaphore_mem>>
        %dma_start3A_270 = arith.constant 0 : i32
        %dma_start3A_271 = tpu.memref_slice %arg3[%add3A_257, %dma_start3A_270] : memref<16384x1024xf32, #tpu.memory_space<hbm>> -> memref<8x1024xf32, #tpu.memory_space<hbm>>
        tpu.enqueue_dma source(%dma_start3A_271 : memref<8x1024xf32, #tpu.memory_space<hbm>>) target(%arg14 : memref<8x1024xf32, #tpu.memory_space<vmem>>) target_semaphore(%dma_start3A_269 : memref<!tpu.dma_semaphore, #tpu.memory_space<semaphore_mem>>)
      } else {
      }
      %mul3A_128 = arith.constant 4 : i32
      %mul3A_129 = arith.muli %scan3A_90, %mul3A_128 : i32
      %add3A_130 = arith.constant 1 : i32
      %add3A_131 = arith.addi %mul3A_129, %add3A_130 : i32
      %mul3A_132 = arith.constant 8 : i32
      %mul3A_133 = arith.muli %add3A_131, %mul3A_132 : i32
      %add3A_134 = arith.addi %mul3A_2, %mul3A_133 : i32
      %dma_wait3A_135 = arith.constant 1 : i32
      %dma_wait3A_136 = arith.constant 0 : i32
      %dma_wait3A_137 = tpu.memref_slice %arg2[%add3A_134, %dma_wait3A_136] : memref<16384x2048xf32, #tpu.memory_space<hbm>> -> memref<8x2048xf32, #tpu.memory_space<hbm>>
      %dma_wait3A_138 = tpu.memref_slice %arg15[%dma_wait3A_135] : memref<4x!tpu.dma_semaphore, #tpu.memory_space<semaphore_mem>> -> memref<1x!tpu.dma_semaphore, #tpu.memory_space<semaphore_mem>>
      %dma_wait3A_139 = tpu.memref_squeeze %dma_wait3A_138 : memref<1x!tpu.dma_semaphore, #tpu.memory_space<semaphore_mem>> -> memref<!tpu.dma_semaphore, #tpu.memory_space<semaphore_mem>>
      %dma_wait3A_140 = arith.constant 0 : i32
      %dma_wait3A_141 = tpu.memref_slice %arg2[%add3A_134, %dma_wait3A_140] : memref<16384x2048xf32, #tpu.memory_space<hbm>> -> memref<8x2048xf32, #tpu.memory_space<hbm>>
      tpu.wait_dma2 semaphore(%dma_wait3A_139 : memref<!tpu.dma_semaphore, #tpu.memory_space<semaphore_mem>>) src(%dma_wait3A_141 : memref<8x2048xf32, #tpu.memory_space<hbm>>) dst(%arg8 : memref<8x2048xf32, #tpu.memory_space<vmem>>)
      %dma_wait3A_142 = arith.constant 1 : i32
      %dma_wait3A_143 = arith.constant 0 : i32
      %dma_wait3A_144 = tpu.memref_slice %arg3[%add3A_134, %dma_wait3A_143] : memref<16384x1024xf32, #tpu.memory_space<hbm>> -> memref<8x1024xf32, #tpu.memory_space<hbm>>
      %dma_wait3A_145 = tpu.memref_slice %arg16[%dma_wait3A_142] : memref<4x!tpu.dma_semaphore, #tpu.memory_space<semaphore_mem>> -> memref<1x!tpu.dma_semaphore, #tpu.memory_space<semaphore_mem>>
      %dma_wait3A_146 = tpu.memref_squeeze %dma_wait3A_145 : memref<1x!tpu.dma_semaphore, #tpu.memory_space<semaphore_mem>> -> memref<!tpu.dma_semaphore, #tpu.memory_space<semaphore_mem>>
      %dma_wait3A_147 = arith.constant 0 : i32
      %dma_wait3A_148 = tpu.memref_slice %arg3[%add3A_134, %dma_wait3A_147] : memref<16384x1024xf32, #tpu.memory_space<hbm>> -> memref<8x1024xf32, #tpu.memory_space<hbm>>
      tpu.wait_dma2 semaphore(%dma_wait3A_146 : memref<!tpu.dma_semaphore, #tpu.memory_space<semaphore_mem>>) src(%dma_wait3A_148 : memref<8x1024xf32, #tpu.memory_space<hbm>>) dst(%arg12 : memref<8x1024xf32, #tpu.memory_space<vmem>>)
      %parallel_loop3A_149 = arith.constant 0 : i32
      %parallel_loop3A_150 = arith.constant 512 : i32
      %parallel_loop3A_151 = arith.constant 1 : i32
      scf.for %parallel_loop3A_251 = %parallel_loop3A_149 to %parallel_loop3A_150 step %parallel_loop3A_151  : i32 {
        %parallel_loop3A_252 = arith.constant 6 : i32
        %parallel_loop3A_253 = arith.shrsi %parallel_loop3A_251, %parallel_loop3A_252 : i32
        %parallel_loop3A_254 = arith.constant 63 : i32
        %parallel_loop3A_255 = arith.andi %parallel_loop3A_251, %parallel_loop3A_254 : i32
        %parallel_loop3A_256 = arith.constant 16 : i32
        %parallel_loop3A_257 = arith.muli %parallel_loop3A_255, %parallel_loop3A_256 : i32
        %parallel_loop3A_258 = arith.index_cast %parallel_loop3A_257 : i32 to index
        %parallel_loop3A_259 = tpu.vector_load %arg6[%parallel_loop3A_258] {strides = array<i32>} : memref<1024xi32, #tpu.memory_space<vmem>>, vector<16xi32>,
        %parallel_loop3A_260 = arith.index_cast %parallel_loop3A_253 : i32 to index
        %parallel_loop3A_261 = arith.index_cast %parallel_loop3A_257 : i32 to index
        %parallel_loop3A_262 = tpu.vector_load %arg12[%parallel_loop3A_260, %parallel_loop3A_261] {strides = array<i32>} : memref<8x1024xf32, #tpu.memory_space<vmem>>, vector<16xf32>,
        %parallel_loop3A_263 = arith.constant 0 : i32
        %parallel_loop3A_264 = vector.broadcast %parallel_loop3A_263 : i32 to vector<16xi32>
        %parallel_loop3A_265 = vector.broadcast %parallel_loop3A_253 : i32 to vector<16xi32>
        %parallel_loop3A_266 = arith.addi %parallel_loop3A_264, %parallel_loop3A_265 : vector<16xi32>
        tpu.vector_store_idx %arg8[%parallel_loop3A_266, %parallel_loop3A_259], %parallel_loop3A_262 {add = true} : memref<8x2048xf32, #tpu.memory_space<vmem>>[vector<16xi32>, vector<16xi32>], vector<16xf32>,
      } {sc.loop_unroll_factor = 8 : i64, sc.parallel_access}
      %mul3A_152 = arith.constant 8 : i32
      %mul3A_153 = arith.muli %add3A_131, %mul3A_152 : i32
      %add3A_154 = arith.addi %mul3A_2, %mul3A_153 : i32
      %dma_start3A_155 = arith.constant 1 : i32
      %dma_start3A_156 = arith.constant 0 : i32
      %dma_start3A_157 = tpu.memref_slice %arg5[%add3A_154, %dma_start3A_156] : memref<16384x2048xf32, #tpu.memory_space<hbm>> -> memref<8x2048xf32, #tpu.memory_space<hbm>>
      %dma_start3A_158 = tpu.memref_slice %arg17[%dma_start3A_155] : memref<4x!tpu.dma_semaphore, #tpu.memory_space<semaphore_mem>> -> memref<1x!tpu.dma_semaphore, #tpu.memory_space<semaphore_mem>>
      %dma_start3A_159 = tpu.memref_squeeze %dma_start3A_158 : memref<1x!tpu.dma_semaphore, #tpu.memory_space<semaphore_mem>> -> memref<!tpu.dma_semaphore, #tpu.memory_space<semaphore_mem>>
      %dma_start3A_160 = arith.constant 0 : i32
      %dma_start3A_161 = tpu.memref_slice %arg5[%add3A_154, %dma_start3A_160] : memref<16384x2048xf32, #tpu.memory_space<hbm>> -> memref<8x2048xf32, #tpu.memory_space<hbm>>
      tpu.enqueue_dma source(%arg8 : memref<8x2048xf32, #tpu.memory_space<vmem>>) target(%dma_start3A_161 : memref<8x2048xf32, #tpu.memory_space<hbm>>) target_semaphore(%dma_start3A_159 : memref<!tpu.dma_semaphore, #tpu.memory_space<semaphore_mem>>)
      %add3A_162 = arith.constant 3 : i32
      %add3A_163 = arith.addi %add3A_131, %add3A_162 : i32
      %lt3A_164 = arith.constant 64 : i32
      %lt3A_165 = arith.cmpi slt, %add3A_163, %lt3A_164 : i32
      %convert_element_type3A_166 = arith.extui %lt3A_165 : i1 to i32
      %cond3A_167 = arith.constant 0 : i32
      %cond3A_168 = arith.cmpi ne, %convert_element_type3A_166, %cond3A_167 : i32
      scf.if %cond3A_168 {
        %ge3A = arith.constant 4 : i32
        %ge3A_251 = arith.cmpi sge, %add3A_163, %ge3A : i32
        %convert_element_type3A_252 = arith.extui %ge3A_251 : i1 to i32
        %cond3A_253 = arith.constant 0 : i32
        %cond3A_254 = arith.cmpi ne, %convert_element_type3A_252, %cond3A_253 : i32
        scf.if %cond3A_254 {
          %sub3A = arith.constant 4 : i32
          %sub3A_272 = arith.subi %add3A_163, %sub3A : i32
          %mul3A_273 = arith.constant 8 : i32
          %mul3A_274 = arith.muli %sub3A_272, %mul3A_273 : i32
          %add3A_275 = arith.addi %mul3A_2, %mul3A_274 : i32
          %dma_wait3A_276 = arith.constant 0 : i32
          %dma_wait3A_277 = arith.constant 0 : i32
          %dma_wait3A_278 = tpu.memref_slice %arg5[%add3A_275, %dma_wait3A_277] : memref<16384x2048xf32, #tpu.memory_space<hbm>> -> memref<8x2048xf32, #tpu.memory_space<hbm>>
          %dma_wait3A_279 = tpu.memref_slice %arg17[%dma_wait3A_276] : memref<4x!tpu.dma_semaphore, #tpu.memory_space<semaphore_mem>> -> memref<1x!tpu.dma_semaphore, #tpu.memory_space<semaphore_mem>>
          %dma_wait3A_280 = tpu.memref_squeeze %dma_wait3A_279 : memref<1x!tpu.dma_semaphore, #tpu.memory_space<semaphore_mem>> -> memref<!tpu.dma_semaphore, #tpu.memory_space<semaphore_mem>>
          %dma_wait3A_281 = arith.constant 0 : i32
          %dma_wait3A_282 = tpu.memref_slice %arg5[%add3A_275, %dma_wait3A_281] : memref<16384x2048xf32, #tpu.memory_space<hbm>> -> memref<8x2048xf32, #tpu.memory_space<hbm>>
          tpu.wait_dma2 semaphore(%dma_wait3A_280 : memref<!tpu.dma_semaphore, #tpu.memory_space<semaphore_mem>>) src(%arg7 : memref<8x2048xf32, #tpu.memory_space<vmem>>) dst(%dma_wait3A_282 : memref<8x2048xf32, #tpu.memory_space<hbm>>)
        } else {
        }
        %mul3A_255 = arith.constant 8 : i32
        %mul3A_256 = arith.muli %add3A_163, %mul3A_255 : i32
        %add3A_257 = arith.addi %mul3A_2, %mul3A_256 : i32
        %dma_start3A_258 = arith.constant 0 : i32
        %dma_start3A_259 = arith.constant 0 : i32
        %dma_start3A_260 = tpu.memref_slice %arg2[%add3A_257, %dma_start3A_259] : memref<16384x2048xf32, #tpu.memory_space<hbm>> -> memref<8x2048xf32, #tpu.memory_space<hbm>>
        %dma_start3A_261 = tpu.memref_slice %arg15[%dma_start3A_258] : memref<4x!tpu.dma_semaphore, #tpu.memory_space<semaphore_mem>> -> memref<1x!tpu.dma_semaphore, #tpu.memory_space<semaphore_mem>>
        %dma_start3A_262 = tpu.memref_squeeze %dma_start3A_261 : memref<1x!tpu.dma_semaphore, #tpu.memory_space<semaphore_mem>> -> memref<!tpu.dma_semaphore, #tpu.memory_space<semaphore_mem>>
        %dma_start3A_263 = arith.constant 0 : i32
        %dma_start3A_264 = tpu.memref_slice %arg2[%add3A_257, %dma_start3A_263] : memref<16384x2048xf32, #tpu.memory_space<hbm>> -> memref<8x2048xf32, #tpu.memory_space<hbm>>
        tpu.enqueue_dma source(%dma_start3A_264 : memref<8x2048xf32, #tpu.memory_space<hbm>>) target(%arg7 : memref<8x2048xf32, #tpu.memory_space<vmem>>) target_semaphore(%dma_start3A_262 : memref<!tpu.dma_semaphore, #tpu.memory_space<semaphore_mem>>)
        %dma_start3A_265 = arith.constant 0 : i32
        %dma_start3A_266 = arith.constant 0 : i32
        %dma_start3A_267 = tpu.memref_slice %arg3[%add3A_257, %dma_start3A_266] : memref<16384x1024xf32, #tpu.memory_space<hbm>> -> memref<8x1024xf32, #tpu.memory_space<hbm>>
        %dma_start3A_268 = tpu.memref_slice %arg16[%dma_start3A_265] : memref<4x!tpu.dma_semaphore, #tpu.memory_space<semaphore_mem>> -> memref<1x!tpu.dma_semaphore, #tpu.memory_space<semaphore_mem>>
        %dma_start3A_269 = tpu.memref_squeeze %dma_start3A_268 : memref<1x!tpu.dma_semaphore, #tpu.memory_space<semaphore_mem>> -> memref<!tpu.dma_semaphore, #tpu.memory_space<semaphore_mem>>
        %dma_start3A_270 = arith.constant 0 : i32
        %dma_start3A_271 = tpu.memref_slice %arg3[%add3A_257, %dma_start3A_270] : memref<16384x1024xf32, #tpu.memory_space<hbm>> -> memref<8x1024xf32, #tpu.memory_space<hbm>>
        tpu.enqueue_dma source(%dma_start3A_271 : memref<8x1024xf32, #tpu.memory_space<hbm>>) target(%arg11 : memref<8x1024xf32, #tpu.memory_space<vmem>>) target_semaphore(%dma_start3A_269 : memref<!tpu.dma_semaphore, #tpu.memory_space<semaphore_mem>>)
      } else {
      }
      %mul3A_169 = arith.constant 4 : i32
      %mul3A_170 = arith.muli %scan3A_90, %mul3A_169 : i32
      %add3A_171 = arith.constant 2 : i32
      %add3A_172 = arith.addi %mul3A_170, %add3A_171 : i32
      %mul3A_173 = arith.constant 8 : i32
      %mul3A_174 = arith.muli %add3A_172, %mul3A_173 : i32
      %add3A_175 = arith.addi %mul3A_2, %mul3A_174 : i32
      %dma_wait3A_176 = arith.constant 2 : i32
      %dma_wait3A_177 = arith.constant 0 : i32
      %dma_wait3A_178 = tpu.memref_slice %arg2[%add3A_175, %dma_wait3A_177] : memref<16384x2048xf32, #tpu.memory_space<hbm>> -> memref<8x2048xf32, #tpu.memory_space<hbm>>
      %dma_wait3A_179 = tpu.memref_slice %arg15[%dma_wait3A_176] : memref<4x!tpu.dma_semaphore, #tpu.memory_space<semaphore_mem>> -> memref<1x!tpu.dma_semaphore, #tpu.memory_space<semaphore_mem>>
      %dma_wait3A_180 = tpu.memref_squeeze %dma_wait3A_179 : memref<1x!tpu.dma_semaphore, #tpu.memory_space<semaphore_mem>> -> memref<!tpu.dma_semaphore, #tpu.memory_space<semaphore_mem>>
      %dma_wait3A_181 = arith.constant 0 : i32
      %dma_wait3A_182 = tpu.memref_slice %arg2[%add3A_175, %dma_wait3A_181] : memref<16384x2048xf32, #tpu.memory_space<hbm>> -> memref<8x2048xf32, #tpu.memory_space<hbm>>
      tpu.wait_dma2 semaphore(%dma_wait3A_180 : memref<!tpu.dma_semaphore, #tpu.memory_space<semaphore_mem>>) src(%dma_wait3A_182 : memref<8x2048xf32, #tpu.memory_space<hbm>>) dst(%arg9 : memref<8x2048xf32, #tpu.memory_space<vmem>>)
      %dma_wait3A_183 = arith.constant 2 : i32
      %dma_wait3A_184 = arith.constant 0 : i32
      %dma_wait3A_185 = tpu.memref_slice %arg3[%add3A_175, %dma_wait3A_184] : memref<16384x1024xf32, #tpu.memory_space<hbm>> -> memref<8x1024xf32, #tpu.memory_space<hbm>>
      %dma_wait3A_186 = tpu.memref_slice %arg16[%dma_wait3A_183] : memref<4x!tpu.dma_semaphore, #tpu.memory_space<semaphore_mem>> -> memref<1x!tpu.dma_semaphore, #tpu.memory_space<semaphore_mem>>
      %dma_wait3A_187 = tpu.memref_squeeze %dma_wait3A_186 : memref<1x!tpu.dma_semaphore, #tpu.memory_space<semaphore_mem>> -> memref<!tpu.dma_semaphore, #tpu.memory_space<semaphore_mem>>
      %dma_wait3A_188 = arith.constant 0 : i32
      %dma_wait3A_189 = tpu.memref_slice %arg3[%add3A_175, %dma_wait3A_188] : memref<16384x1024xf32, #tpu.memory_space<hbm>> -> memref<8x1024xf32, #tpu.memory_space<hbm>>
      tpu.wait_dma2 semaphore(%dma_wait3A_187 : memref<!tpu.dma_semaphore, #tpu.memory_space<semaphore_mem>>) src(%dma_wait3A_189 : memref<8x1024xf32, #tpu.memory_space<hbm>>) dst(%arg13 : memref<8x1024xf32, #tpu.memory_space<vmem>>)
      %parallel_loop3A_190 = arith.constant 0 : i32
      %parallel_loop3A_191 = arith.constant 512 : i32
      %parallel_loop3A_192 = arith.constant 1 : i32
      scf.for %parallel_loop3A_251 = %parallel_loop3A_190 to %parallel_loop3A_191 step %parallel_loop3A_192  : i32 {
        %parallel_loop3A_252 = arith.constant 6 : i32
        %parallel_loop3A_253 = arith.shrsi %parallel_loop3A_251, %parallel_loop3A_252 : i32
        %parallel_loop3A_254 = arith.constant 63 : i32
        %parallel_loop3A_255 = arith.andi %parallel_loop3A_251, %parallel_loop3A_254 : i32
        %parallel_loop3A_256 = arith.constant 16 : i32
        %parallel_loop3A_257 = arith.muli %parallel_loop3A_255, %parallel_loop3A_256 : i32
        %parallel_loop3A_258 = arith.index_cast %parallel_loop3A_257 : i32 to index
        %parallel_loop3A_259 = tpu.vector_load %arg6[%parallel_loop3A_258] {strides = array<i32>} : memref<1024xi32, #tpu.memory_space<vmem>>, vector<16xi32>,
        %parallel_loop3A_260 = arith.index_cast %parallel_loop3A_253 : i32 to index
        %parallel_loop3A_261 = arith.index_cast %parallel_loop3A_257 : i32 to index
        %parallel_loop3A_262 = tpu.vector_load %arg13[%parallel_loop3A_260, %parallel_loop3A_261] {strides = array<i32>} : memref<8x1024xf32, #tpu.memory_space<vmem>>, vector<16xf32>,
        %parallel_loop3A_263 = arith.constant 0 : i32
        %parallel_loop3A_264 = vector.broadcast %parallel_loop3A_263 : i32 to vector<16xi32>
        %parallel_loop3A_265 = vector.broadcast %parallel_loop3A_253 : i32 to vector<16xi32>
        %parallel_loop3A_266 = arith.addi %parallel_loop3A_264, %parallel_loop3A_265 : vector<16xi32>
        tpu.vector_store_idx %arg9[%parallel_loop3A_266, %parallel_loop3A_259], %parallel_loop3A_262 {add = true} : memref<8x2048xf32, #tpu.memory_space<vmem>>[vector<16xi32>, vector<16xi32>], vector<16xf32>,
      } {sc.loop_unroll_factor = 8 : i64, sc.parallel_access}
      %mul3A_193 = arith.constant 8 : i32
      %mul3A_194 = arith.muli %add3A_172, %mul3A_193 : i32
      %add3A_195 = arith.addi %mul3A_2, %mul3A_194 : i32
      %dma_start3A_196 = arith.constant 2 : i32
      %dma_start3A_197 = arith.constant 0 : i32
      %dma_start3A_198 = tpu.memref_slice %arg5[%add3A_195, %dma_start3A_197] : memref<16384x2048xf32, #tpu.memory_space<hbm>> -> memref<8x2048xf32, #tpu.memory_space<hbm>>
      %dma_start3A_199 = tpu.memref_slice %arg17[%dma_start3A_196] : memref<4x!tpu.dma_semaphore, #tpu.memory_space<semaphore_mem>> -> memref<1x!tpu.dma_semaphore, #tpu.memory_space<semaphore_mem>>
      %dma_start3A_200 = tpu.memref_squeeze %dma_start3A_199 : memref<1x!tpu.dma_semaphore, #tpu.memory_space<semaphore_mem>> -> memref<!tpu.dma_semaphore, #tpu.memory_space<semaphore_mem>>
      %dma_start3A_201 = arith.constant 0 : i32
      %dma_start3A_202 = tpu.memref_slice %arg5[%add3A_195, %dma_start3A_201] : memref<16384x2048xf32, #tpu.memory_space<hbm>> -> memref<8x2048xf32, #tpu.memory_space<hbm>>
      tpu.enqueue_dma source(%arg9 : memref<8x2048xf32, #tpu.memory_space<vmem>>) target(%dma_start3A_202 : memref<8x2048xf32, #tpu.memory_space<hbm>>) target_semaphore(%dma_start3A_200 : memref<!tpu.dma_semaphore, #tpu.memory_space<semaphore_mem>>)
      %add3A_203 = arith.constant 3 : i32
      %add3A_204 = arith.addi %add3A_172, %add3A_203 : i32
      %lt3A_205 = arith.constant 64 : i32
      %lt3A_206 = arith.cmpi slt, %add3A_204, %lt3A_205 : i32
      %convert_element_type3A_207 = arith.extui %lt3A_206 : i1 to i32
      %cond3A_208 = arith.constant 0 : i32
      %cond3A_209 = arith.cmpi ne, %convert_element_type3A_207, %cond3A_208 : i32
      scf.if %cond3A_209 {
        %ge3A = arith.constant 4 : i32
        %ge3A_251 = arith.cmpi sge, %add3A_204, %ge3A : i32
        %convert_element_type3A_252 = arith.extui %ge3A_251 : i1 to i32
        %cond3A_253 = arith.constant 0 : i32
        %cond3A_254 = arith.cmpi ne, %convert_element_type3A_252, %cond3A_253 : i32
        scf.if %cond3A_254 {
          %sub3A = arith.constant 4 : i32
          %sub3A_272 = arith.subi %add3A_204, %sub3A : i32
          %mul3A_273 = arith.constant 8 : i32
          %mul3A_274 = arith.muli %sub3A_272, %mul3A_273 : i32
          %add3A_275 = arith.addi %mul3A_2, %mul3A_274 : i32
          %dma_wait3A_276 = arith.constant 1 : i32
          %dma_wait3A_277 = arith.constant 0 : i32
          %dma_wait3A_278 = tpu.memref_slice %arg5[%add3A_275, %dma_wait3A_277] : memref<16384x2048xf32, #tpu.memory_space<hbm>> -> memref<8x2048xf32, #tpu.memory_space<hbm>>
          %dma_wait3A_279 = tpu.memref_slice %arg17[%dma_wait3A_276] : memref<4x!tpu.dma_semaphore, #tpu.memory_space<semaphore_mem>> -> memref<1x!tpu.dma_semaphore, #tpu.memory_space<semaphore_mem>>
          %dma_wait3A_280 = tpu.memref_squeeze %dma_wait3A_279 : memref<1x!tpu.dma_semaphore, #tpu.memory_space<semaphore_mem>> -> memref<!tpu.dma_semaphore, #tpu.memory_space<semaphore_mem>>
          %dma_wait3A_281 = arith.constant 0 : i32
          %dma_wait3A_282 = tpu.memref_slice %arg5[%add3A_275, %dma_wait3A_281] : memref<16384x2048xf32, #tpu.memory_space<hbm>> -> memref<8x2048xf32, #tpu.memory_space<hbm>>
          tpu.wait_dma2 semaphore(%dma_wait3A_280 : memref<!tpu.dma_semaphore, #tpu.memory_space<semaphore_mem>>) src(%arg8 : memref<8x2048xf32, #tpu.memory_space<vmem>>) dst(%dma_wait3A_282 : memref<8x2048xf32, #tpu.memory_space<hbm>>)
        } else {
        }
        %mul3A_255 = arith.constant 8 : i32
        %mul3A_256 = arith.muli %add3A_204, %mul3A_255 : i32
        %add3A_257 = arith.addi %mul3A_2, %mul3A_256 : i32
        %dma_start3A_258 = arith.constant 1 : i32
        %dma_start3A_259 = arith.constant 0 : i32
        %dma_start3A_260 = tpu.memref_slice %arg2[%add3A_257, %dma_start3A_259] : memref<16384x2048xf32, #tpu.memory_space<hbm>> -> memref<8x2048xf32, #tpu.memory_space<hbm>>
        %dma_start3A_261 = tpu.memref_slice %arg15[%dma_start3A_258] : memref<4x!tpu.dma_semaphore, #tpu.memory_space<semaphore_mem>> -> memref<1x!tpu.dma_semaphore, #tpu.memory_space<semaphore_mem>>
        %dma_start3A_262 = tpu.memref_squeeze %dma_start3A_261 : memref<1x!tpu.dma_semaphore, #tpu.memory_space<semaphore_mem>> -> memref<!tpu.dma_semaphore, #tpu.memory_space<semaphore_mem>>
        %dma_start3A_263 = arith.constant 0 : i32
        %dma_start3A_264 = tpu.memref_slice %arg2[%add3A_257, %dma_start3A_263] : memref<16384x2048xf32, #tpu.memory_space<hbm>> -> memref<8x2048xf32, #tpu.memory_space<hbm>>
        tpu.enqueue_dma source(%dma_start3A_264 : memref<8x2048xf32, #tpu.memory_space<hbm>>) target(%arg8 : memref<8x2048xf32, #tpu.memory_space<vmem>>) target_semaphore(%dma_start3A_262 : memref<!tpu.dma_semaphore, #tpu.memory_space<semaphore_mem>>)
        %dma_start3A_265 = arith.constant 1 : i32
        %dma_start3A_266 = arith.constant 0 : i32
        %dma_start3A_267 = tpu.memref_slice %arg3[%add3A_257, %dma_start3A_266] : memref<16384x1024xf32, #tpu.memory_space<hbm>> -> memref<8x1024xf32, #tpu.memory_space<hbm>>
        %dma_start3A_268 = tpu.memref_slice %arg16[%dma_start3A_265] : memref<4x!tpu.dma_semaphore, #tpu.memory_space<semaphore_mem>> -> memref<1x!tpu.dma_semaphore, #tpu.memory_space<semaphore_mem>>
        %dma_start3A_269 = tpu.memref_squeeze %dma_start3A_268 : memref<1x!tpu.dma_semaphore, #tpu.memory_space<semaphore_mem>> -> memref<!tpu.dma_semaphore, #tpu.memory_space<semaphore_mem>>
        %dma_start3A_270 = arith.constant 0 : i32
        %dma_start3A_271 = tpu.memref_slice %arg3[%add3A_257, %dma_start3A_270] : memref<16384x1024xf32, #tpu.memory_space<hbm>> -> memref<8x1024xf32, #tpu.memory_space<hbm>>
        tpu.enqueue_dma source(%dma_start3A_271 : memref<8x1024xf32, #tpu.memory_space<hbm>>) target(%arg12 : memref<8x1024xf32, #tpu.memory_space<vmem>>) target_semaphore(%dma_start3A_269 : memref<!tpu.dma_semaphore, #tpu.memory_space<semaphore_mem>>)
      } else {
      }
      %mul3A_210 = arith.constant 4 : i32
      %mul3A_211 = arith.muli %scan3A_90, %mul3A_210 : i32
      %add3A_212 = arith.constant 3 : i32
      %add3A_213 = arith.addi %mul3A_211, %add3A_212 : i32
      %mul3A_214 = arith.constant 8 : i32
      %mul3A_215 = arith.muli %add3A_213, %mul3A_214 : i32
      %add3A_216 = arith.addi %mul3A_2, %mul3A_215 : i32
      %dma_wait3A_217 = arith.constant 3 : i32
      %dma_wait3A_218 = arith.constant 0 : i32
      %dma_wait3A_219 = tpu.memref_slice %arg2[%add3A_216, %dma_wait3A_218] : memref<16384x2048xf32, #tpu.memory_space<hbm>> -> memref<8x2048xf32, #tpu.memory_space<hbm>>
      %dma_wait3A_220 = tpu.memref_slice %arg15[%dma_wait3A_217] : memref<4x!tpu.dma_semaphore, #tpu.memory_space<semaphore_mem>> -> memref<1x!tpu.dma_semaphore, #tpu.memory_space<semaphore_mem>>
      %dma_wait3A_221 = tpu.memref_squeeze %dma_wait3A_220 : memref<1x!tpu.dma_semaphore, #tpu.memory_space<semaphore_mem>> -> memref<!tpu.dma_semaphore, #tpu.memory_space<semaphore_mem>>
      %dma_wait3A_222 = arith.constant 0 : i32
      %dma_wait3A_223 = tpu.memref_slice %arg2[%add3A_216, %dma_wait3A_222] : memref<16384x2048xf32, #tpu.memory_space<hbm>> -> memref<8x2048xf32, #tpu.memory_space<hbm>>
      tpu.wait_dma2 semaphore(%dma_wait3A_221 : memref<!tpu.dma_semaphore, #tpu.memory_space<semaphore_mem>>) src(%dma_wait3A_223 : memref<8x2048xf32, #tpu.memory_space<hbm>>) dst(%arg10 : memref<8x2048xf32, #tpu.memory_space<vmem>>)
      %dma_wait3A_224 = arith.constant 3 : i32
      %dma_wait3A_225 = arith.constant 0 : i32
      %dma_wait3A_226 = tpu.memref_slice %arg3[%add3A_216, %dma_wait3A_225] : memref<16384x1024xf32, #tpu.memory_space<hbm>> -> memref<8x1024xf32, #tpu.memory_space<hbm>>
      %dma_wait3A_227 = tpu.memref_slice %arg16[%dma_wait3A_224] : memref<4x!tpu.dma_semaphore, #tpu.memory_space<semaphore_mem>> -> memref<1x!tpu.dma_semaphore, #tpu.memory_space<semaphore_mem>>
      %dma_wait3A_228 = tpu.memref_squeeze %dma_wait3A_227 : memref<1x!tpu.dma_semaphore, #tpu.memory_space<semaphore_mem>> -> memref<!tpu.dma_semaphore, #tpu.memory_space<semaphore_mem>>
      %dma_wait3A_229 = arith.constant 0 : i32
      %dma_wait3A_230 = tpu.memref_slice %arg3[%add3A_216, %dma_wait3A_229] : memref<16384x1024xf32, #tpu.memory_space<hbm>> -> memref<8x1024xf32, #tpu.memory_space<hbm>>
      tpu.wait_dma2 semaphore(%dma_wait3A_228 : memref<!tpu.dma_semaphore, #tpu.memory_space<semaphore_mem>>) src(%dma_wait3A_230 : memref<8x1024xf32, #tpu.memory_space<hbm>>) dst(%arg14 : memref<8x1024xf32, #tpu.memory_space<vmem>>)
      %parallel_loop3A_231 = arith.constant 0 : i32
      %parallel_loop3A_232 = arith.constant 512 : i32
      %parallel_loop3A_233 = arith.constant 1 : i32
      scf.for %parallel_loop3A_251 = %parallel_loop3A_231 to %parallel_loop3A_232 step %parallel_loop3A_233  : i32 {
        %parallel_loop3A_252 = arith.constant 6 : i32
        %parallel_loop3A_253 = arith.shrsi %parallel_loop3A_251, %parallel_loop3A_252 : i32
        %parallel_loop3A_254 = arith.constant 63 : i32
        %parallel_loop3A_255 = arith.andi %parallel_loop3A_251, %parallel_loop3A_254 : i32
        %parallel_loop3A_256 = arith.constant 16 : i32
        %parallel_loop3A_257 = arith.muli %parallel_loop3A_255, %parallel_loop3A_256 : i32
        %parallel_loop3A_258 = arith.index_cast %parallel_loop3A_257 : i32 to index
        %parallel_loop3A_259 = tpu.vector_load %arg6[%parallel_loop3A_258] {strides = array<i32>} : memref<1024xi32, #tpu.memory_space<vmem>>, vector<16xi32>,
        %parallel_loop3A_260 = arith.index_cast %parallel_loop3A_253 : i32 to index
        %parallel_loop3A_261 = arith.index_cast %parallel_loop3A_257 : i32 to index
        %parallel_loop3A_262 = tpu.vector_load %arg14[%parallel_loop3A_260, %parallel_loop3A_261] {strides = array<i32>} : memref<8x1024xf32, #tpu.memory_space<vmem>>, vector<16xf32>,
        %parallel_loop3A_263 = arith.constant 0 : i32
        %parallel_loop3A_264 = vector.broadcast %parallel_loop3A_263 : i32 to vector<16xi32>
        %parallel_loop3A_265 = vector.broadcast %parallel_loop3A_253 : i32 to vector<16xi32>
        %parallel_loop3A_266 = arith.addi %parallel_loop3A_264, %parallel_loop3A_265 : vector<16xi32>
        tpu.vector_store_idx %arg10[%parallel_loop3A_266, %parallel_loop3A_259], %parallel_loop3A_262 {add = true} : memref<8x2048xf32, #tpu.memory_space<vmem>>[vector<16xi32>, vector<16xi32>], vector<16xf32>,
      } {sc.loop_unroll_factor = 8 : i64, sc.parallel_access}
      %mul3A_234 = arith.constant 8 : i32
      %mul3A_235 = arith.muli %add3A_213, %mul3A_234 : i32
      %add3A_236 = arith.addi %mul3A_2, %mul3A_235 : i32
      %dma_start3A_237 = arith.constant 3 : i32
      %dma_start3A_238 = arith.constant 0 : i32
      %dma_start3A_239 = tpu.memref_slice %arg5[%add3A_236, %dma_start3A_238] : memref<16384x2048xf32, #tpu.memory_space<hbm>> -> memref<8x2048xf32, #tpu.memory_space<hbm>>
      %dma_start3A_240 = tpu.memref_slice %arg17[%dma_start3A_237] : memref<4x!tpu.dma_semaphore, #tpu.memory_space<semaphore_mem>> -> memref<1x!tpu.dma_semaphore, #tpu.memory_space<semaphore_mem>>
      %dma_start3A_241 = tpu.memref_squeeze %dma_start3A_240 : memref<1x!tpu.dma_semaphore, #tpu.memory_space<semaphore_mem>> -> memref<!tpu.dma_semaphore, #tpu.memory_space<semaphore_mem>>
      %dma_start3A_242 = arith.constant 0 : i32
      %dma_start3A_243 = tpu.memref_slice %arg5[%add3A_236, %dma_start3A_242] : memref<16384x2048xf32, #tpu.memory_space<hbm>> -> memref<8x2048xf32, #tpu.memory_space<hbm>>
      tpu.enqueue_dma source(%arg10 : memref<8x2048xf32, #tpu.memory_space<vmem>>) target(%dma_start3A_243 : memref<8x2048xf32, #tpu.memory_space<hbm>>) target_semaphore(%dma_start3A_241 : memref<!tpu.dma_semaphore, #tpu.memory_space<semaphore_mem>>)
      %add3A_244 = arith.constant 3 : i32
      %add3A_245 = arith.addi %add3A_213, %add3A_244 : i32
      %lt3A_246 = arith.constant 64 : i32
      %lt3A_247 = arith.cmpi slt, %add3A_245, %lt3A_246 : i32
      %convert_element_type3A_248 = arith.extui %lt3A_247 : i1 to i32
      %cond3A_249 = arith.constant 0 : i32
      %cond3A_250 = arith.cmpi ne, %convert_element_type3A_248, %cond3A_249 : i32
      scf.if %cond3A_250 {
        %ge3A = arith.constant 4 : i32
        %ge3A_251 = arith.cmpi sge, %add3A_245, %ge3A : i32
        %convert_element_type3A_252 = arith.extui %ge3A_251 : i1 to i32
        %cond3A_253 = arith.constant 0 : i32
        %cond3A_254 = arith.cmpi ne, %convert_element_type3A_252, %cond3A_253 : i32
        scf.if %cond3A_254 {
          %sub3A = arith.constant 4 : i32
          %sub3A_272 = arith.subi %add3A_245, %sub3A : i32
          %mul3A_273 = arith.constant 8 : i32
          %mul3A_274 = arith.muli %sub3A_272, %mul3A_273 : i32
          %add3A_275 = arith.addi %mul3A_2, %mul3A_274 : i32
          %dma_wait3A_276 = arith.constant 2 : i32
          %dma_wait3A_277 = arith.constant 0 : i32
          %dma_wait3A_278 = tpu.memref_slice %arg5[%add3A_275, %dma_wait3A_277] : memref<16384x2048xf32, #tpu.memory_space<hbm>> -> memref<8x2048xf32, #tpu.memory_space<hbm>>
          %dma_wait3A_279 = tpu.memref_slice %arg17[%dma_wait3A_276] : memref<4x!tpu.dma_semaphore, #tpu.memory_space<semaphore_mem>> -> memref<1x!tpu.dma_semaphore, #tpu.memory_space<semaphore_mem>>
          %dma_wait3A_280 = tpu.memref_squeeze %dma_wait3A_279 : memref<1x!tpu.dma_semaphore, #tpu.memory_space<semaphore_mem>> -> memref<!tpu.dma_semaphore, #tpu.memory_space<semaphore_mem>>
          %dma_wait3A_281 = arith.constant 0 : i32
          %dma_wait3A_282 = tpu.memref_slice %arg5[%add3A_275, %dma_wait3A_281] : memref<16384x2048xf32, #tpu.memory_space<hbm>> -> memref<8x2048xf32, #tpu.memory_space<hbm>>
          tpu.wait_dma2 semaphore(%dma_wait3A_280 : memref<!tpu.dma_semaphore, #tpu.memory_space<semaphore_mem>>) src(%arg9 : memref<8x2048xf32, #tpu.memory_space<vmem>>) dst(%dma_wait3A_282 : memref<8x2048xf32, #tpu.memory_space<hbm>>)
        } else {
        }
        %mul3A_255 = arith.constant 8 : i32
        %mul3A_256 = arith.muli %add3A_245, %mul3A_255 : i32
        %add3A_257 = arith.addi %mul3A_2, %mul3A_256 : i32
        %dma_start3A_258 = arith.constant 2 : i32
        %dma_start3A_259 = arith.constant 0 : i32
        %dma_start3A_260 = tpu.memref_slice %arg2[%add3A_257, %dma_start3A_259] : memref<16384x2048xf32, #tpu.memory_space<hbm>> -> memref<8x2048xf32, #tpu.memory_space<hbm>>
        %dma_start3A_261 = tpu.memref_slice %arg15[%dma_start3A_258] : memref<4x!tpu.dma_semaphore, #tpu.memory_space<semaphore_mem>> -> memref<1x!tpu.dma_semaphore, #tpu.memory_space<semaphore_mem>>
        %dma_start3A_262 = tpu.memref_squeeze %dma_start3A_261 : memref<1x!tpu.dma_semaphore, #tpu.memory_space<semaphore_mem>> -> memref<!tpu.dma_semaphore, #tpu.memory_space<semaphore_mem>>
        %dma_start3A_263 = arith.constant 0 : i32
        %dma_start3A_264 = tpu.memref_slice %arg2[%add3A_257, %dma_start3A_263] : memref<16384x2048xf32, #tpu.memory_space<hbm>> -> memref<8x2048xf32, #tpu.memory_space<hbm>>
        tpu.enqueue_dma source(%dma_start3A_264 : memref<8x2048xf32, #tpu.memory_space<hbm>>) target(%arg9 : memref<8x2048xf32, #tpu.memory_space<vmem>>) target_semaphore(%dma_start3A_262 : memref<!tpu.dma_semaphore, #tpu.memory_space<semaphore_mem>>)
        %dma_start3A_265 = arith.constant 2 : i32
        %dma_start3A_266 = arith.constant 0 : i32
        %dma_start3A_267 = tpu.memref_slice %arg3[%add3A_257, %dma_start3A_266] : memref<16384x1024xf32, #tpu.memory_space<hbm>> -> memref<8x1024xf32, #tpu.memory_space<hbm>>
        %dma_start3A_268 = tpu.memref_slice %arg16[%dma_start3A_265] : memref<4x!tpu.dma_semaphore, #tpu.memory_space<semaphore_mem>> -> memref<1x!tpu.dma_semaphore, #tpu.memory_space<semaphore_mem>>
        %dma_start3A_269 = tpu.memref_squeeze %dma_start3A_268 : memref<1x!tpu.dma_semaphore, #tpu.memory_space<semaphore_mem>> -> memref<!tpu.dma_semaphore, #tpu.memory_space<semaphore_mem>>
        %dma_start3A_270 = arith.constant 0 : i32
        %dma_start3A_271 = tpu.memref_slice %arg3[%add3A_257, %dma_start3A_270] : memref<16384x1024xf32, #tpu.memory_space<hbm>> -> memref<8x1024xf32, #tpu.memory_space<hbm>>
        tpu.enqueue_dma source(%dma_start3A_271 : memref<8x1024xf32, #tpu.memory_space<hbm>>) target(%arg13 : memref<8x1024xf32, #tpu.memory_space<vmem>>) target_semaphore(%dma_start3A_269 : memref<!tpu.dma_semaphore, #tpu.memory_space<semaphore_mem>>)
      } else {
      }
    }
    %scan3A_54 = arith.constant 16 : i32
    %add3A_55 = arith.constant 480 : i32
    %add3A_56 = arith.addi %mul3A_2, %add3A_55 : i32
    %dma_wait3A = arith.constant 0 : i32
    %dma_wait3A_57 = arith.constant 0 : i32
    %dma_wait3A_58 = tpu.memref_slice %arg5[%add3A_56, %dma_wait3A_57] : memref<16384x2048xf32, #tpu.memory_space<hbm>> -> memref<8x2048xf32, #tpu.memory_space<hbm>>
    %dma_wait3A_59 = tpu.memref_slice %arg17[%dma_wait3A] : memref<4x!tpu.dma_semaphore, #tpu.memory_space<semaphore_mem>> -> memref<1x!tpu.dma_semaphore, #tpu.memory_space<semaphore_mem>>
    %dma_wait3A_60 = tpu.memref_squeeze %dma_wait3A_59 : memref<1x!tpu.dma_semaphore, #tpu.memory_space<semaphore_mem>> -> memref<!tpu.dma_semaphore, #tpu.memory_space<semaphore_mem>>
    %dma_wait3A_61 = arith.constant 0 : i32
    %dma_wait3A_62 = tpu.memref_slice %arg5[%add3A_56, %dma_wait3A_61] : memref<16384x2048xf32, #tpu.memory_space<hbm>> -> memref<8x2048xf32, #tpu.memory_space<hbm>>
    tpu.wait_dma2 semaphore(%dma_wait3A_60 : memref<!tpu.dma_semaphore, #tpu.memory_space<semaphore_mem>>) src(%arg7 : memref<8x2048xf32, #tpu.memory_space<vmem>>) dst(%dma_wait3A_62 : memref<8x2048xf32, #tpu.memory_space<hbm>>)
    %add3A_63 = arith.constant 488 : i32
    %add3A_64 = arith.addi %mul3A_2, %add3A_63 : i32
    %dma_wait3A_65 = arith.constant 1 : i32
    %dma_wait3A_66 = arith.constant 0 : i32
    %dma_wait3A_67 = tpu.memref_slice %arg5[%add3A_64, %dma_wait3A_66] : memref<16384x2048xf32, #tpu.memory_space<hbm>> -> memref<8x2048xf32, #tpu.memory_space<hbm>>
    %dma_wait3A_68 = tpu.memref_slice %arg17[%dma_wait3A_65] : memref<4x!tpu.dma_semaphore, #tpu.memory_space<semaphore_mem>> -> memref<1x!tpu.dma_semaphore, #tpu.memory_space<semaphore_mem>>
    %dma_wait3A_69 = tpu.memref_squeeze %dma_wait3A_68 : memref<1x!tpu.dma_semaphore, #tpu.memory_space<semaphore_mem>> -> memref<!tpu.dma_semaphore, #tpu.memory_space<semaphore_mem>>
    %dma_wait3A_70 = arith.constant 0 : i32
    %dma_wait3A_71 = tpu.memref_slice %arg5[%add3A_64, %dma_wait3A_70] : memref<16384x2048xf32, #tpu.memory_space<hbm>> -> memref<8x2048xf32, #tpu.memory_space<hbm>>
    tpu.wait_dma2 semaphore(%dma_wait3A_69 : memref<!tpu.dma_semaphore, #tpu.memory_space<semaphore_mem>>) src(%arg8 : memref<8x2048xf32, #tpu.memory_space<vmem>>) dst(%dma_wait3A_71 : memref<8x2048xf32, #tpu.memory_space<hbm>>)
    %add3A_72 = arith.constant 496 : i32
    %add3A_73 = arith.addi %mul3A_2, %add3A_72 : i32
    %dma_wait3A_74 = arith.constant 2 : i32
    %dma_wait3A_75 = arith.constant 0 : i32
    %dma_wait3A_76 = tpu.memref_slice %arg5[%add3A_73, %dma_wait3A_75] : memref<16384x2048xf32, #tpu.memory_space<hbm>> -> memref<8x2048xf32, #tpu.memory_space<hbm>>
    %dma_wait3A_77 = tpu.memref_slice %arg17[%dma_wait3A_74] : memref<4x!tpu.dma_semaphore, #tpu.memory_space<semaphore_mem>> -> memref<1x!tpu.dma_semaphore, #tpu.memory_space<semaphore_mem>>
    %dma_wait3A_78 = tpu.memref_squeeze %dma_wait3A_77 : memref<1x!tpu.dma_semaphore, #tpu.memory_space<semaphore_mem>> -> memref<!tpu.dma_semaphore, #tpu.memory_space<semaphore_mem>>
    %dma_wait3A_79 = arith.constant 0 : i32
    %dma_wait3A_80 = tpu.memref_slice %arg5[%add3A_73, %dma_wait3A_79] : memref<16384x2048xf32, #tpu.memory_space<hbm>> -> memref<8x2048xf32, #tpu.memory_space<hbm>>
    tpu.wait_dma2 semaphore(%dma_wait3A_78 : memref<!tpu.dma_semaphore, #tpu.memory_space<semaphore_mem>>) src(%arg9 : memref<8x2048xf32, #tpu.memory_space<vmem>>) dst(%dma_wait3A_80 : memref<8x2048xf32, #tpu.memory_space<hbm>>)
    %add3A_81 = arith.constant 504 : i32
    %add3A_82 = arith.addi %mul3A_2, %add3A_81 : i32
    %dma_wait3A_83 = arith.constant 3 : i32
    %dma_wait3A_84 = arith.constant 0 : i32
    %dma_wait3A_85 = tpu.memref_slice %arg5[%add3A_82, %dma_wait3A_84] : memref<16384x2048xf32, #tpu.memory_space<hbm>> -> memref<8x2048xf32, #tpu.memory_space<hbm>>
    %dma_wait3A_86 = tpu.memref_slice %arg17[%dma_wait3A_83] : memref<4x!tpu.dma_semaphore, #tpu.memory_space<semaphore_mem>> -> memref<1x!tpu.dma_semaphore, #tpu.memory_space<semaphore_mem>>
    %dma_wait3A_87 = tpu.memref_squeeze %dma_wait3A_86 : memref<1x!tpu.dma_semaphore, #tpu.memory_space<semaphore_mem>> -> memref<!tpu.dma_semaphore, #tpu.memory_space<semaphore_mem>>
    %dma_wait3A_88 = arith.constant 0 : i32
    %dma_wait3A_89 = tpu.memref_slice %arg5[%add3A_82, %dma_wait3A_88] : memref<16384x2048xf32, #tpu.memory_space<hbm>> -> memref<8x2048xf32, #tpu.memory_space<hbm>>
    tpu.wait_dma2 semaphore(%dma_wait3A_87 : memref<!tpu.dma_semaphore, #tpu.memory_space<semaphore_mem>>) src(%arg10 : memref<8x2048xf32, #tpu.memory_space<vmem>>) dst(%dma_wait3A_89 : memref<8x2048xf32, #tpu.memory_space<hbm>>)
    return
  }
}

</mosaic_0001>

<sc_bundles>
// kernel: kernel.3.cloned.1.call-start
scs
__scs_entry_jumppad:
0x0: {  	(pc) =	sbr.rel $0x88, $3  }
0x1: {  	(tag) =	ssettag $0x0;
	lr =	simm.s32 $0x1  }
0x2: {  	[smem:$0x3F9E] =	sst lr;
	_ =	strace $0xD0000000  }
0x3: {  	_ = 	snop  }
0x4: {  	_ = 	snop  }
0x5: {  	_ = 	snop  }
0x6: {  	_ = 	snop  }
0x7: {  	_ = 	snop  }
__scs_overlays_trampoline_lowered:
0x8: {  	[smem:$0x3FAD] =	sst s0  }
0x9: {  	[smem:$0x3FAE] =	sst s1  }
0xa: {  	[smem:$0x3FAF] =	sst s2  }
0xb: {  	[smem:$0x3FB0] =	sst s3  }
0xc: {  	[smem:$0x3FB1] =	sst s4  }
0xd: {  	[smem:$0x3FB2] =	sst s5  }
0xe: {  	[smem:$0x3FB3] =	sst s6  }
0xf: {  	[smem:$0x3FB4] =	sst s7  }
0x10: {  	[smem:$0x3FB5] =	sst s8  }
0x11: {  	[smem:$0x3FB6] =	sst s9;
	s0 =	simm.s32 @!p0 $0x0  }
0x12: {  	s1 =	sld [smem:$0x3F9C];
	s0 =	simm.s32 @p0 $0x1  }
0x13: {  	[smem:$0x3FB7] =	sst s0;
	s0 =	simm.s32 @!p1 $0x0  }
0x14: {  	s2 =	sld [smem:$0x3F9B];
	s0 =	simm.s32 @p1 $0x1  }
0x15: {  	[smem:$0x3FB8] =	sst s0;
	s0 =	simm.s32 @!p2 $0x0  }
0x16: {  	s3 =	sld [smem:$0x3FDB];
	s0 =	simm.s32 @p2 $0x1  }
0x17: {  	s4 =	simm.s32 $0x1BF5;
	[smem:$0x3FBA] =	sst s0  }
0x18: {  	s0 =	sld [smem:$0x3F9D];
	_ =	swait.ge [sflag:s4], $0x0  }
0x19: {  	s7 =	sld [smem:$0x3F9E]  }
0x1a: {  	s8 =	sadd.s32 $0xFFFFE003, lr  }
0x1b: {  	s9 =	sadd.s32 $0xFFFFFEF7, lr;
	s5 =	simm.s32 $0xFFFFFFFF;
	p2 =	slt.u32 s8, $0xFFFFF086  }
0x1c: {  	p1 =	slt.u32 s9, $0xF7A;
	s5 =	simm.s32 @!p2 $0x0  }
0x1d: {  	s5 =	simm.s32 @p1 $0x1;
	p0 =	seq.s32 s7, s2  }
0x1e: {  	s7 =	smul.u32 @!p0 $0xF7A, s2;
	p2 =	seq.s32 @!p0 s5, $0x0  }
0x1f: {  	s9 =	smul.u32 $0xF7A, s1;
	s8 =	simm.s32 @!p0 $0x1BF5;
	p2 =	por !p2, p0  }
0x20: {  	[sflag:s8] =	ssyncset.s32 @!p0 $0xFFFFF086;
	s6 =	sadd.s32 @!p0 s3, s7;
	s7 =	simm.s32 @!p0 $0x108  }
0x21: {  	s3 =	sadd.s32 s3, s9;
	s6 =	sadd.s32 @!p0 $0x88, s6;
	s7 =	simm.s32 @p2 $0x1082  }
0x22: {  	[simem:s7], [sflag:s8] =	dma.local @!p0 [hbm:s6], $0xF7A  }
0x23: {  	s9 =	sor.u32 $0xD0000000, s2;
	s6 =	simm.s32 $0x108;
	_ =	swait.ge @!p0 [sflag:s8], $0x0  }
0x24: {  	s3 =	sadd.s32 $0x88, s3;
	s6 =	simm.s32 @!p1 $0x1082;
	[sflag:s4] =	ssyncset.s32 $0xFFFFF086  }
0x25: {  	[simem:s6], [sflag:s4] =	dma.local [hbm:s3], $0xF7A  }
0x26: {  	[smem:$0x3F9E] =	sst s1;
	(tag) =	ssettag s2;
	_ =	strace s9  }
0x27: {  	s1 =	sld [smem:$0x3FAE]  }
0x28: {  	s2 =	sld [smem:$0x3FAF]  }
0x29: {  	s4 =	sld [smem:$0x3FB1]  }
0x2a: {  	p0 =	seq.s32 s5, $0x0;
	s5 =	sld [smem:$0x3FB2]  }
0x2b: {  	s6 =	sld [smem:$0x3FB3]  }
0x2c: {  	s7 =	sld [smem:$0x3FB4]  }
0x2d: {  	s3 =	simm.s32 $0x108;
	s8 =	sld [smem:$0x3FB5]  }
0x2e: {  	s3 =	simm.s32 @!p0 $0x1082;
	s9 =	sld [smem:$0x3FB6]  }
0x2f: {  	lr =	sadd.s32 s0, s3;
	s0 =	sld [smem:$0x3FAD]  }
0x30: {  	s3 =	sld [smem:$0x3FB0]  }
0x31: {  	[smem:$0x3FB9] =	sst s10  }
0x32: {  	s10 =	sld [smem:$0x3FB7];
	_ =	sdelay $0x3  }
0x33: {  	p0 =	seq.s32 s10, $0x1;
	s10 =	sld [smem:$0x3FB9];
	_ =	sdelay $0x3  }
0x34: {  	[smem:$0x3FB9] =	sst s10  }
0x35: {  	s10 =	sld [smem:$0x3FB8];
	_ =	sdelay $0x3  }
0x36: {  	p1 =	seq.s32 s10, $0x1;
	s10 =	sld [smem:$0x3FB9];
	_ =	sdelay $0x3  }
0x37: {  	[smem:$0x3FB9] =	sst s10  }
0x38: {  	s10 =	sld [smem:$0x3FBA]  }
0x39: {  	_ = 	snop;
	(pc) =	sbr.ind lr, $3  }
0x3a: {  	_ = 	snop  }
0x3b: {  	_ = 	snop  }
0x3c: {  	p2 =	seq.s32 s10, $0x1;
	s10 =	sld [smem:$0x3FB9]  }
0x3d: {  	_ =	shalt  }
0x3e: {  	_ =	shalt  }
0x3f: {  	_ =	shalt  }
0x40: {  	_ =	shalt  }
0x41: {  	_ =	shalt  }
0x42: {  	_ =	shalt  }
0x43: {  	_ =	shalt  }
0x44: {  	_ =	shalt  }
0x45: {  	_ =	shalt  }
0x46: {  	_ =	shalt  }
0x47: {  	_ =	shalt  }
0x48: {  	_ =	shalt  }
0x49: {  	_ =	shalt  }
0x4a: {  	_ =	shalt  }
0x4b: {  	_ =	shalt  }
0x4c: {  	_ =	shalt  }
0x4d: {  	_ =	shalt  }
0x4e: {  	_ =	shalt  }
0x4f: {  	_ =	shalt  }
0x50: {  	_ =	shalt  }
0x51: {  	_ =	shalt  }
0x52: {  	_ =	shalt  }
0x53: {  	_ =	shalt  }
0x54: {  	_ =	shalt  }
0x55: {  	_ =	shalt  }
0x56: {  	_ =	shalt  }
0x57: {  	_ =	shalt  }
0x58: {  	_ =	shalt  }
0x59: {  	_ =	shalt  }
0x5a: {  	_ =	shalt  }
0x5b: {  	_ =	shalt  }
0x5c: {  	_ =	shalt  }
0x5d: {  	_ =	shalt  }
0x5e: {  	_ =	shalt  }
0x5f: {  	_ =	shalt  }
0x60: {  	_ =	shalt  }
0x61: {  	_ =	shalt  }
0x62: {  	_ =	shalt  }
0x63: {  	_ =	shalt  }
0x64: {  	_ =	shalt  }
0x65: {  	_ =	shalt  }
0x66: {  	_ =	shalt  }
0x67: {  	_ =	shalt  }
0x68: {  	_ =	shalt  }
0x69: {  	_ =	shalt  }
0x6a: {  	_ =	shalt  }
0x6b: {  	_ =	shalt  }
0x6c: {  	_ =	shalt  }
0x6d: {  	_ =	shalt  }
0x6e: {  	_ =	shalt  }
0x6f: {  	_ =	shalt  }
0x70: {  	_ =	shalt  }
0x71: {  	_ =	shalt  }
0x72: {  	_ =	shalt  }
0x73: {  	_ =	shalt  }
0x74: {  	_ =	shalt  }
0x75: {  	_ =	shalt  }
0x76: {  	_ =	shalt  }
0x77: {  	_ =	shalt  }
0x78: {  	_ =	shalt  }
0x79: {  	_ =	shalt  }
0x7a: {  	_ =	shalt  }
0x7b: {  	_ =	shalt  }
0x7c: {  	_ =	shalt  }
0x7d: {  	_ =	shalt  }
0x7e: {  	_ =	shalt  }
0x7f: {  	_ =	shalt  }
0x80: {  	_ =	shalt  }
0x81: {  	_ =	shalt  }
0x82: {  	_ =	shalt  }
0x83: {  	_ =	shalt  }
0x84: {  	_ =	shalt  }
0x85: {  	_ =	shalt  }
0x86: {  	_ =	shalt  }
0x87: {  	_ =	shalt  }
.Lfunc_end0:
.L_simem_size_0:
called_computation_lowered:
.L_overlay_start_0:
0x88: {  	s2 =	sld [smem:$0x3FD9]  }
0x89: {  	s3 =	sld [smem:$0x3FFE];
	_ =	sdelay $0x1  }
0x8a: {  	s1 =	srdreg.scid  }
0x8b: {  	s0 =	sand.u32 $0x1, s1  }
0x8c: {  	s18 =	sshll.u32 s0, $0xA;
	s2 =	sadd.s32 s3, s2  }
0x8d: {  	s2 =	sadd.s32 s2, s18  }
0x8e: {  	[smem:$0x3FC5] =	sst s2  }
0x8f: {  	_ = 	snop  }
0x90: {  	s2 =	sld [smem:$0x3FC9]  }
0x91: {  	s19 =	sld [smem:$0x3FC8]  }
0x92: {  	s4 =	sld [smem:$0x3FC7]  }
0x93: {  	s5 =	sld [smem:$0x3FD0];
	(tm) =	ssettm $0x1  }
0x94: {  	s6 =	sld [smem:$0x3FFB];
	_ =	sdelay $0x3  }
0x95: {  	_ =	strace s6  }
0x96: {  	s6 =	sld [smem:$0x3FFC];
	_ =	sdelay $0x3  }
0x97: {  	_ =	strace s6  }
0x98: {  	s6 =	sld [smem:$0x3FFD];
	_ =	sdelay $0x3  }
0x99: {  	_ =	strace s6  }
0x9a: {  	_ =	strace $0x8FFFFFFF  }
0x9b: {  	s20 =	sld [smem:$0x3FDB];
	_ =	sdelay $0x1  }
0x9c: {  	s7 =	simm.s32 $_scs_section_size  }
0x9d: {  	s8 =	simm.s32 $_size__tile_overlayer_lowered;
	s9 =	simm.s32 $_tile_overlayer_lowered  }
0x9e: {  	s23 =	simm.s32 $0x1BFF;
	s22 =	sshll.u32 s9, $0x1;
	s6 =	sadd.s32 s7, s20  }
0x9f: {  	s10 =	simm.s32 $0x0;
	s21 =	sshll.u32 s8, $0x1;
	s8 =	sadd.s32 s22, s6  }
0xa0: {  	[timem:s10], [sflag:s23] =	dma.local [hbm:s8], s21  }
0xa1: {  	_ =	swait.ge [sflag:s23], s21  }
0xa2: {  	s7 =	ssub.s32 $0x0, s21;
	[sflag:s23] =	ssyncset.done $0x0  }
0xa3: {  	[sflag:s23] =	ssyncadd.s32 s7;
	_ =	sdelay $0x1  }
0xa4: {  	s24 =	simm.s32 $0x1B8B  }
0xa5: {  	_ =	swait.ge [sflag:s24], $0x1  }
0xa6: {  	[sflag:s24] =	ssyncset.done $0x0  }
0xa7: {  	s25 =	simm.s32 $0x1B8E;
	[sflag:s24] =	ssyncadd.s32 $0xFFFFFFFF  }
0xa8: {  	s26 =	simm.s32 $execute0_lowered;
	[smem:$0x3FD2] =	sst s25  }
0xa9: {  	s7 =	sshll.u32 s26, $0x1;
	_ =	strace $0x80000046;
	[dreg:$0x1] =	wrdreg $0xFFFFFFFF  }
0xaa: {  	s28 =	simm.s32 $_size_execute0_lowered;
	s6 =	sadd.s32 s6, s7;
	[dreg:$0x0] =	wrdreg $0x0  }
0xab: {  	s7 =	sshll.u32 s28, $0x1;
	[dreg:$0x2] =	wrdreg s6  }
0xac: {  	[dreg:$0x3] =	wrdreg s7  }
0xad: {  	[dreg:$0x4] =	wrdreg $0xC0  }
0xae: {  	_ =	task [dreg:s10], $0x5FFFF  }
0xaf: {  	[dreg:$0x1] =	wrdreg $0xFFFFFFFF  }
0xb0: {  	[dreg:$0x0] =	wrdreg $0x60  }
0xb1: {  	[dreg:$0x2] =	wrdreg s2  }
0xb2: {  	[dreg:$0x3] =	wrdreg s19  }
0xb3: {  	[dreg:$0x4] =	wrdreg s4  }
0xb4: {  	[dreg:$0x5] =	wrdreg s5  }
0xb5: {  	[dreg:$0x6] =	wrdreg $0x9  }
0xb6: {  	_ =	task.clear_ibuf [dreg:s10], $0x7FFFF;
	_ =	strace $0x90000046  }
0xb7: {  	s29 =	simm.s32 $0x9;
	_ =	strace $0x80000048  }
0xb8: {  	_ =	swait.ge [sflag:s29], $0x1  }
0xb9: {  	[sflag:s29] =	ssyncadd.s32 $0xFFFFFFFF  }
0xba: {  	_ =	strace $0x90000048  }
0xbb: {  	_ =	sfence  }
0xbc: {  	s30 =	sld [smem:$0x0];
	_ =	sdelay $0x2  }
0xbd: {  	s31 =	sshll.u32 s1, $0xD;
	s1 =	sshrl.u32 s1, $0x2  }
0xbe: {  	s3 =	sand.u32 $0x4000, s31;
	s1 =	sadd.s32 s1, s30  }
0xbf: {  	s0 =	sor.u32 s3, s0;
	s1 =	sshll.u32 s1, $0x11  }
0xc0: {  	s0 =	sor.u32 s1, s0  }
0xc1: {  	s0 =	sadd.s32 $0x8F2B, s0  }
0xc2: {  	[sflag:s0] =	ssyncadd.remote.s32 $0x1  }
0xc3: {  	_ =	sfence.sel $0xFFFF  }
0xc4: {  	[dreg:$0x0] =	wrdreg $0xFFFFFFFF;
	(pc) =	sbr.abs _section_cstart, $3  }
0xc5: {  	[dreg:$0x1] =	wrdreg $0xFFFFFFFF  }
0xc6: {  	_ =	task.clear_ibuf [dreg:s10], $0x2FFFF;
	_ =	strace $0x9FFFFFFF  }
0xc7: {  	(tm) =	ssettm $0x7FFFFFFF  }
tec
execute0_lowered:
.L_overlay_start_1:
0x0: {  	(tag) =	ssettag $0x1  }
0x1: {  	s1 =	rddreg [dreg:$0x0]  }
0x2: {  	s2 =	rddreg [dreg:$0x1]  }
0x3: {  	s17 =	rddreg [dreg:$0x3]  }
0x4: {  	s0 =	srdreg.scid;
	s6 =	simm.s32 $0x0;
	s4 =	stileid.u32  }
0x5: {  	s28 =	simm.s32 $0x1;
	s29 =	simm.s32 $0x5;
	s30 =	simm.s32 $0xC400  }
0x6: {  	s11 =	simm.s32 $0xB;
	s0 =	sand.u32 $0x1, s0;
	s4 =	sshll.u32 s4, $0xA  }
0x7: {  	[smem:$0x7FF] =	sst s6;
	s3 =	ssub.s32 $0x2, s0;
	s0 =	sshll.u32 s0, $0x9  }
0x8: {  	_ =	strace $0x80000047;
	s8 =	sshrl.u32 s3, $0x1;
	s5 =	sor.u32 s0, s4  }
0x9: {  	s12 =	ssub.s32 s3, s8;
	s13 =	sshrl.u32 s5, $0x3;
	s4 =	sshll.u32 s5, $0x8  }
0xa: {  	[dreg:$0x5] =	wrdreg s5;
	s15 =	sshll.u32 s5, $0x7;
	s3 =	simm.s32 $0x3  }
0xb: {  	s8 =	simm.s32 $0x8;
	s9 =	sor.u32 $0x1, s13;
	s16 =	sadd.s32 s1, s4  }
0xc: {  	s18 =	sadd.s32 s2, s15;
	s22 =	sor.u32 $0x2, s13;
	s14 =	sadd.s32 s17, s4  }
0xd: {  	s15 =	sor.u32 $0x4, s13;
	s31 =	sor.u32 $0x6, s13;
	[dreg:$0x6] =	wrdreg s16  }
0xe: {  	s0 =	smax.u32 s12, $0x1;
	s4 =	simm.s32 $0x6;
	[dreg:$0x7] =	wrdreg s18  }
0xf: {  	s19 =	sshll.u32 s9, $0xB;
	s21 =	sshll.u32 s9, $0xA;
	s24 =	sshll.u32 s22, $0xB  }
0x10: {  	s9 =	sshll.u32 s22, $0xA;
	s16 =	sor.u32 $0x5, s13;
	[dreg:$0xc] =	wrdreg s31  }
0x11: {  	[dreg:$0xd] =	wrdreg s0;
	s0 =	simm.s32 $0x2;
	s22 =	simm.s32 $0x7  }
.Ltmp0:
0x12: {  	s20 =	sadd.s32 s1, s19;
	s23 =	sadd.s32 s2, s21;
	(pc) =	sbr.rel .LBB2_1-.Ltmp0, $4  }
0x13: {  	s25 =	sadd.s32 s1, s24;
	s26 =	sadd.s32 s2, s9;
	[dreg:$0x8] =	wrdreg s20  }
0x14: {  	s19 =	sor.u32 $0x3, s13;
	s21 =	simm.s32 $0x400;
	[dreg:$0x9] =	wrdreg s23  }
0x15: {  	s24 =	simm.s32 $0x4;
	s9 =	simm.s32 $0x0;
	[dreg:$0xa] =	wrdreg s25  }
0x16: {  	[dreg:$0xb] =	wrdreg s26;
	s23 =	simm.s32 $0x4400;
	s25 =	simm.s32 $0x8400  }
.LBB2_12:
0x17: {  	s5 =	simm.s32 $0x9  }
0x18: {  	_ =	swait.ge [sflag:s5], $0x4000  }
0x19: {  	[sflag:s5] =	ssyncset.done $0x0  }
0x1a: {  	s26 =	simm.s32 $0xA;
	[sflag:s5] =	ssyncadd.s32 $0xFFFFC000  }
0x1b: {  	_ =	swait.ge [sflag:s26], $0x4000  }
0x1c: {  	[sflag:s26] =	ssyncset.done $0x0  }
0x1d: {  	[sflag:s26] =	ssyncadd.s32 $0xFFFFC000  }
0x1e: {  	_ =	swait.ge [sflag:s11], $0x4000  }
0x1f: {  	[sflag:s11] =	ssyncset.done $0x0  }
0x20: {  	s7 =	simm.s32 $0xC;
	[sflag:s11] =	ssyncadd.s32 $0xFFFFC000  }
0x21: {  	_ =	swait.ge [sflag:s7], $0x4000  }
0x22: {  	s9 =	rddreg [dreg:$0xe]  }
0x23: {  	s31 =	rddreg [dreg:$0xd];
	s9 =	sadd.s32 $0x1, s9  }
0x24: {  	p0 =	sne.s32 s9, s31  }
.Ltmp1:
0x25: {  	_ = 	snop;
	(pc) =	sbr.rel @!p0 .LBB2_13-.Ltmp1, $3  }
0x26: {  	_ =	sdelay $0x1  }
0x27: {  	[sflag:s7] =	ssyncset.done $0x0  }
0x28: {  	[sflag:s7] =	ssyncadd.s32 $0xFFFFC000  }
.LBB2_1:
0x29: {  	[dreg:$0xe] =	wrdreg s9  }
0x2a: {  	s5 =	rddreg [dreg:$0x2];
	s7 =	simm.s32 $0xD  }
0x2b: {  	[tilespmem:s6], [sflag:$0xD] =	stream.linear.gather [hbm4b:s5+s6], $0x400, $0x38;
	[tilespmem:$0x18400] =	vst v63  }
0x2c: {  	_ =	swait.ge [sflag:s7], $0x400  }
0x2d: {  	[sflag:s7] =	ssyncset.done $0x0  }
0x2e: {  	s9 =	rddreg [dreg:$0x6];
	[sflag:s7] =	ssyncadd.s32 $0xFFFFFC00  }
0x2f: {  	[tilespmem:s21], [sflag:$0x1] =	stream.linear.gather [hbm4b:s9+s6], $0x4000, $0x38;
	[tilespmem:$0x18400] =	vst v63  }
0x30: {  	s10 =	rddreg [dreg:$0x7];
	s7 =	simm.s32 $0x10400  }
0x31: {  	[tilespmem:s7], [sflag:$0x5] =	stream.linear.gather [hbm4b:s10+s6], $0x2000, $0x38;
	[tilespmem:$0x18400] =	vst v63  }
0x32: {  	s12 =	rddreg [dreg:$0x8]  }
0x33: {  	[tilespmem:s23], [sflag:$0x2] =	stream.linear.gather [hbm4b:s12+s6], $0x4000, $0x38;
	[tilespmem:$0x18400] =	vst v63  }
0x34: {  	s18 =	simm.s32 $0x12400;
	s13 =	rddreg [dreg:$0x9]  }
0x35: {  	[tilespmem:s18], [sflag:$0x6] =	stream.linear.gather [hbm4b:s13+s6], $0x2000, $0x38;
	[tilespmem:$0x18400] =	vst v63  }
0x36: {  	s20 =	rddreg [dreg:$0xa]  }
0x37: {  	[tilespmem:s25], [sflag:$0x3] =	stream.linear.gather [hbm4b:s20+s6], $0x4000, $0x38;
	[tilespmem:$0x18400] =	vst v63  }
0x38: {  	s31 =	simm.s32 $0x14400;
	s26 =	rddreg [dreg:$0xb];
	s18 =	simm.s32 $0x0  }
0x39: {  	[tilespmem:s31], [sflag:$0x7] =	stream.linear.gather [hbm4b:s26+s6], $0x2000, $0x38;
	[tilespmem:$0x18400] =	vst v63  }
.LBB2_2:
0x3a: {  	_ =	swait.ge [sflag:s28], $0x4000  }
0x3b: {  	[sflag:s28] =	ssyncset.done $0x0  }
0x3c: {  	[sflag:s28] =	ssyncadd.s32 $0xFFFFC000  }
0x3d: {  	s9 =	simm.s32 $0x0;
	_ =	swait.ge [sflag:s29], $0x2000  }
0x3e: {  	s9 =	sand.u32 $0x7, s9;
	[sflag:s29] =	ssyncset.done $0x0  }
0x3f: {  	s10 =	sshll.u32 s9, $0x7;
	[sflag:s29] =	ssyncadd.s32 $0xFFFFE000  }
0x40: {  	v1 =	vld [tilespmem:s10+$0x70]  }
0x41: {  	v3 =	vld [tilespmem:s10+$0x20]  }
0x42: {  	v5 =	vld [tilespmem:s10+$0x60]  }
0x43: {  	s12 =	simm.s32 $0x0;
	v6 =	vld [tilespmem:s10+$0x0]  }
0x44: {  	v0 =	vmov s12;
	v10 =	vld [tilespmem:s10+$0x10]  }
0x45: {  	s31 =	simm.s32 $0x0;
	v0 =	vshll.u32 v0, $0x7;
	v12 =	vld [tilespmem:s10+$0x40]  }
0x46: {  	s12 =	sand.u32 $0x3FFFFF80, s31;
	s9 =	sshll.u32 s9, $0xA;
	v0 =	vand.u32 $0x380, v0  }
0x47: {  	s9 =	sadd.s32 s12, s9;
	v0 =	vbroadcast v0, $0x0;
	v4 =	vshll.u32 v1, $0x3;
	v7 =	vshll.u32 v3, $0x3  }
0x48: {  	s12 =	sadd.s32 $0x10400, s9;
	v2 =	vld [tilespmem:s10+$0x50];
	v8 =	vshll.u32 v5, $0x3;
	v5 =	vand.u32 $0x7F, v5;
	v14 =	vand.u32 $0x7F, v1  }
0x49: {  	v15 =	vshll.u32 v6, $0x3;
	v16 =	vand.u32 $0x7F, v3;
	v3 =	vand.u32 $0x7F, v6;
	v6 =	vld [tilespmem:s12+$0x40]  }
0x4a: {  	v17 =	vand.u32 $0x7F, v10;
	v19 =	vand.u32 $0x7F, v12;
	v13 =	vand.u32 $0xFFFFFC00, v4;
	v4 =	vld [tilespmem:s12+$0x60]  }
0x4b: {  	v10 =	vshll.u32 v10, $0x3;
	v9 =	vand.u32 $0xFFFFFC00, v8;
	v8 =	vld [tilespmem:s10+$0x30];
	v18 =	vand.u32 $0xFFFFFC00, v7  }
0x4c: {  	v7 =	vld [tilespmem:s12+$0x20];
	v1 =	vor.u32 v9, v5;
	v5 =	vand.u32 $0xFFFFFC00, v15;
	v15 =	vshll.u32 v12, $0x3  }
0x4d: {  	v12 =	vor.u32 v13, v14;
	v14 =	vand.u32 $0xFFFFFC00, v10;
	v10 =	vld [tilespmem:s12+$0x10];
	v9 =	vor.u32 v0, v1  }
0x4e: {  	v11 =	vshll.u32 v2, $0x3;
	v1 =	vld [tilespmem:s12+$0x70];
	v13 =	vor.u32 v5, v3  }
0x4f: {  	v3 =	vld [tilespmem:s12+$0x50];
	v5 =	vor.u32 v0, v12;
	v20 =	vand.u32 $0xFFFFFC00, v15;
	v14 =	vor.u32 v14, v17  }
0x50: {  	s10 =	simm.s32 $0x1;
	v12 =	vld [tilespmem:s9+$0x10400];
	s9 =	simm.s32 $0x0;
	v15 =	vor.u32 v18, v16;
	v13 =	vor.u32 v0, v13;
	v16 =	vor.u32 v20, v19  }
.LBB2_3:
0x51: {  	s9 =	sadd.s32 $0x8, s9;
	s13 =	sand.u32 $0x7, s10;
	v17 =	vld [tilespmem:s12+$0x30];
	v18 =	vshll.u32 v8, $0x3;
	v2 =	vand.u32 $0x7F, v2;
	v11 =	vand.u32 $0xFFFFFC00, v11  }
0x52: {  	v8 =	vand.u32 $0x7F, v8;
	v16 =	vor.u32 v0, v16;
	s12 =	sshrl.u32 s9, $0x6;
	s20 =	sshll.u32 s13, $0x7;
	s26 =	sshll.u32 s9, $0x1;
	v18 =	vand.u32 $0xFFFFFC00, v18;
	[tilespmem:v9+s21+$0x0] =	vst.idx.add.f32.msk $0xffff, v4  }
0x53: {  	p0 =	slt.u32 s9, $0x1F8;
	v2 =	vor.u32 v11, v2;
	v9 =	vld [tilespmem:s20+$0x0];
	s26 =	sand.u32 $0x3FFFFF80, s26;
	v4 =	vmov s12;
	v8 =	vor.u32 v18, v8  }
0x54: {  	v15 =	vor.u32 v0, v15;
	v4 =	vshll.u32 v4, $0x7;
	v11 =	vld [tilespmem:s20+$0x70];
	v8 =	vor.u32 v0, v8  }
0x55: {  	v14 =	vor.u32 v0, v14;
	v19 =	vor.u32 v0, v2;
	v4 =	vand.u32 $0x380, v4;
	v18 =	vld [tilespmem:s20+$0x20]  }
0x56: {  	[tilespmem:v13+s21+$0x0] =	vst.idx.add.f32.msk $0xffff, v12  }
0x57: {  	[tilespmem:v16+s21+$0x0] =	vst.idx.add.f32.msk $0xffff, v6  }
0x58: {  	v0 =	vbroadcast v4, $0x0;
	v2 =	vld [tilespmem:s20+$0x50]  }
0x59: {  	s12 =	sshll.u32 s13, $0xA;
	[tilespmem:v15+s21+$0x0] =	vst.idx.add.f32.msk $0xffff, v7  }
0x5a: {  	s13 =	sadd.s32 s26, s12;
	[tilespmem:v14+s21+$0x0] =	vst.idx.add.f32.msk $0xffff, v10  }
0x5b: {  	v6 =	vld [tilespmem:s20+$0x60]  }
0x5c: {  	s12 =	sadd.s32 $0x10400, s13;
	[tilespmem:v8+s21+$0x0] =	vst.idx.add.f32.msk $0xffff, v17  }
0x5d: {  	v4 =	vld [tilespmem:s12+$0x60]  }
0x5e: {  	v10 =	vld [tilespmem:s20+$0x10]  }
0x5f: {  	v7 =	vshll.u32 v11, $0x3;
	v12 =	vld [tilespmem:s20+$0x40]  }
0x60: {  	v13 =	vshll.u32 v18, $0x3;
	v15 =	vand.u32 $0xFFFFFC00, v7;
	v8 =	vld [tilespmem:s20+$0x30];
	v14 =	vshll.u32 v6, $0x3  }
0x61: {  	v6 =	vand.u32 $0x7F, v6;
	v7 =	vand.u32 $0xFFFFFC00, v14;
	v14 =	vand.u32 $0x7F, v11;
	[tilespmem:v5+s21+$0x0] =	vst.idx.add.f32.msk $0xffff, v1  }
0x62: {  	v16 =	vand.u32 $0x7F, v18;
	v5 =	vshll.u32 v9, $0x3;
	v1 =	vor.u32 v7, v6;
	[tilespmem:v19+s21+$0x0] =	vst.idx.add.f32.msk $0xffff, v3  }
0x63: {  	v11 =	vshll.u32 v2, $0x3;
	v3 =	vand.u32 $0x7F, v9;
	v6 =	vld [tilespmem:s12+$0x40];
	v9 =	vor.u32 v0, v1  }
.Ltmp2:
0x64: {  	v18 =	vand.u32 $0xFFFFFC00, v13;
	v17 =	vand.u32 $0x7F, v10;
	v19 =	vand.u32 $0x7F, v12;
	v1 =	vld [tilespmem:s12+$0x70];
	(pc) =	sbr.rel @p0 .LBB2_3-.Ltmp2, $4  }
0x65: {  	v5 =	vand.u32 $0xFFFFFC00, v5;
	v20 =	vshll.u32 v12, $0x3;
	v12 =	vor.u32 v15, v14;
	v7 =	vld [tilespmem:s12+$0x20]  }
0x66: {  	v13 =	vor.u32 v5, v3;
	v10 =	vshll.u32 v10, $0x3;
	v5 =	vor.u32 v0, v12;
	v3 =	vld [tilespmem:s12+$0x50]  }
0x67: {  	v13 =	vor.u32 v0, v13;
	v14 =	vand.u32 $0xFFFFFC00, v10;
	v20 =	vand.u32 $0xFFFFFC00, v20;
	v12 =	vld [tilespmem:s13+$0x10400]  }
0x68: {  	s10 =	sadd.s32 $0x1, s10;
	v15 =	vor.u32 v18, v16;
	v14 =	vor.u32 v14, v17;
	v16 =	vor.u32 v20, v19;
	v10 =	vld [tilespmem:s12+$0x10]  }
0x69: {  	_ =	sdelay $0x1  }
0x6a: {  	v17 =	vshll.u32 v8, $0x3;
	v16 =	vor.u32 v0, v16;
	v8 =	vand.u32 $0x7F, v8  }
0x6b: {  	v15 =	vor.u32 v0, v15;
	v18 =	vld [tilespmem:s12+$0x30];
	v14 =	vor.u32 v0, v14;
	v17 =	vand.u32 $0xFFFFFC00, v17  }
0x6c: {  	v2 =	vand.u32 $0x7F, v2;
	v11 =	vand.u32 $0xFFFFFC00, v11;
	[tilespmem:v9+s21+$0x0] =	vst.idx.add.f32.msk $0xffff, v4;
	v8 =	vor.u32 v17, v8  }
0x6d: {  	[tilespmem:v5+s21+$0x0] =	vst.idx.add.f32.msk $0xffff, v1;
	v2 =	vor.u32 v11, v2;
	v4 =	vor.u32 v0, v8  }
0x6e: {  	[tilespmem:v13+s21+$0x0] =	vst.idx.add.f32.msk $0xffff, v12;
	v0 =	vor.u32 v0, v2  }
0x6f: {  	[tilespmem:v16+s21+$0x0] =	vst.idx.add.f32.msk $0xffff, v6  }
0x70: {  	[tilespmem:v15+s21+$0x0] =	vst.idx.add.f32.msk $0xffff, v7  }
0x71: {  	[tilespmem:v14+s21+$0x0] =	vst.idx.add.f32.msk $0xffff, v10  }
0x72: {  	s9 =	sshll.u32 s18, $0xD;
	p0 =	seq.s32 s18, $0x0;
	[tilespmem:v4+s21+$0x0] =	vst.idx.add.f32.msk $0xffff, v18  }
0x73: {  	s20 =	sshll.u32 s18, $0x2;
	s9 =	sadd.s32 s9, s14;
	s10 =	simm.s32 @!p0 $0xC;
	[tilespmem:v0+s21+$0x0] =	vst.idx.add.f32.msk $0xffff, v3  }
0x74: {  	[hbm4b:s9+s6] =	stream.linear.scatter [tilespmem:s21], [sflag:$0x9], $0x4000, $0x38;
	[tilespmem:$0x18400] =	vst v63  }
0x75: {  	s7 =	sor.u32 s19, s20;
	_ =	swait.ge @!p0 [sflag:s10], $0x4000  }
0x76: {  	s13 =	simm.s32 $0x0;
	s9 =	sshll.u32 s7, $0xB;
	[sflag:s10] =	ssyncset.done @!p0 $0x0  }
0x77: {  	s31 =	sshll.u32 s7, $0xA;
	s26 =	sadd.s32 s1, s9;
	[sflag:s10] =	ssyncadd.s32 @!p0 $0xFFFFC000  }
0x78: {  	[tilespmem:s30], [sflag:$0x4] =	stream.linear.gather [hbm4b:s26+s13], $0x4000, $0x38;
	[tilespmem:$0x18400] =	vst v63  }
0x79: {  	s5 =	simm.s32 $0x16400;
	s10 =	sadd.s32 s2, s31  }
0x7a: {  	[tilespmem:s5], [sflag:$0x8] =	stream.linear.gather [hbm4b:s10+s13], $0x2000, $0x38;
	[tilespmem:$0x18400] =	vst v63  }
0x7b: {  	_ =	swait.ge [sflag:s0], $0x4000  }
0x7c: {  	[sflag:s0] =	ssyncset.done $0x0  }
0x7d: {  	[sflag:s0] =	ssyncadd.s32 $0xFFFFC000  }
0x7e: {  	_ =	swait.ge [sflag:s4], $0x2000  }
0x7f: {  	s5 =	sand.u32 $0x7, s13;
	[sflag:s4] =	ssyncset.done $0x0  }
0x80: {  	s7 =	sshll.u32 s5, $0x7;
	[sflag:s4] =	ssyncadd.s32 $0xFFFFE000  }
0x81: {  	v1 =	vld [tilespmem:s7+$0x70]  }
0x82: {  	v3 =	vld [tilespmem:s7+$0x20]  }
0x83: {  	v4 =	vld [tilespmem:s7+$0x60]  }
0x84: {  	s26 =	simm.s32 $0x0;
	v6 =	vld [tilespmem:s7+$0x0]  }
0x85: {  	v0 =	vmov s26;
	v10 =	vld [tilespmem:s7+$0x10]  }
0x86: {  	s31 =	simm.s32 $0x0;
	v0 =	vshll.u32 v0, $0x7;
	v12 =	vld [tilespmem:s7+$0x40]  }
0x87: {  	s13 =	sand.u32 $0x3FFFFF80, s31;
	v0 =	vand.u32 $0x380, v0;
	s10 =	sshll.u32 s5, $0xA  }
0x88: {  	v0 =	vbroadcast v0, $0x0;
	s10 =	sadd.s32 s13, s10;
	v5 =	vshll.u32 v1, $0x3;
	v7 =	vshll.u32 v3, $0x3  }
0x89: {  	s13 =	sadd.s32 $0x12400, s10;
	v2 =	vld [tilespmem:s7+$0x50];
	v8 =	vshll.u32 v4, $0x3;
	v4 =	vand.u32 $0x7F, v4;
	v14 =	vand.u32 $0x7F, v1  }
0x8a: {  	v15 =	vshll.u32 v6, $0x3;
	v16 =	vand.u32 $0x7F, v3;
	v3 =	vand.u32 $0x7F, v6;
	v6 =	vld [tilespmem:s13+$0x40]  }
0x8b: {  	v17 =	vand.u32 $0x7F, v10;
	v19 =	vand.u32 $0x7F, v12;
	v13 =	vand.u32 $0xFFFFFC00, v5;
	v5 =	vld [tilespmem:s13+$0x60]  }
0x8c: {  	v10 =	vshll.u32 v10, $0x3;
	v9 =	vand.u32 $0xFFFFFC00, v8;
	v8 =	vld [tilespmem:s7+$0x30];
	v18 =	vand.u32 $0xFFFFFC00, v7  }
0x8d: {  	v7 =	vld [tilespmem:s13+$0x20];
	v1 =	vor.u32 v9, v4;
	v4 =	vand.u32 $0xFFFFFC00, v15;
	v15 =	vshll.u32 v12, $0x3  }
0x8e: {  	v12 =	vor.u32 v13, v14;
	v14 =	vand.u32 $0xFFFFFC00, v10;
	v10 =	vld [tilespmem:s13+$0x10];
	v9 =	vor.u32 v0, v1  }
0x8f: {  	v11 =	vshll.u32 v2, $0x3;
	v1 =	vld [tilespmem:s13+$0x70];
	v13 =	vor.u32 v4, v3  }
0x90: {  	v3 =	vld [tilespmem:s13+$0x50];
	v4 =	vor.u32 v0, v12;
	v20 =	vand.u32 $0xFFFFFC00, v15;
	v14 =	vor.u32 v14, v17  }
0x91: {  	s12 =	simm.s32 $0x1;
	v12 =	vld [tilespmem:s10+$0x12400];
	s10 =	simm.s32 $0x0;
	v15 =	vor.u32 v18, v16;
	v13 =	vor.u32 v0, v13;
	v16 =	vor.u32 v20, v19  }
.LBB2_5:
0x92: {  	s10 =	sadd.s32 $0x8, s10;
	s26 =	sand.u32 $0x7, s12;
	v17 =	vld [tilespmem:s13+$0x30];
	v18 =	vshll.u32 v8, $0x3;
	v2 =	vand.u32 $0x7F, v2;
	v11 =	vand.u32 $0xFFFFFC00, v11  }
0x93: {  	v8 =	vand.u32 $0x7F, v8;
	v16 =	vor.u32 v0, v16;
	s13 =	sshrl.u32 s10, $0x6;
	s31 =	sshll.u32 s26, $0x7;
	s5 =	sshll.u32 s10, $0x1;
	v18 =	vand.u32 $0xFFFFFC00, v18;
	[tilespmem:v9+s23+$0x0] =	vst.idx.add.f32.msk $0xffff, v5  }
0x94: {  	p0 =	slt.u32 s10, $0x1F8;
	v2 =	vor.u32 v11, v2;
	v9 =	vld [tilespmem:s31+$0x0];
	s5 =	sand.u32 $0x3FFFFF80, s5;
	v5 =	vmov s13;
	v8 =	vor.u32 v18, v8  }
0x95: {  	v15 =	vor.u32 v0, v15;
	v5 =	vshll.u32 v5, $0x7;
	v11 =	vld [tilespmem:s31+$0x70];
	v8 =	vor.u32 v0, v8  }
0x96: {  	v14 =	vor.u32 v0, v14;
	v19 =	vor.u32 v0, v2;
	v5 =	vand.u32 $0x380, v5;
	v18 =	vld [tilespmem:s31+$0x20]  }
0x97: {  	[tilespmem:v13+s23+$0x0] =	vst.idx.add.f32.msk $0xffff, v12  }
0x98: {  	[tilespmem:v16+s23+$0x0] =	vst.idx.add.f32.msk $0xffff, v6  }
0x99: {  	v0 =	vbroadcast v5, $0x0;
	v2 =	vld [tilespmem:s31+$0x50]  }
0x9a: {  	s13 =	sshll.u32 s26, $0xA;
	[tilespmem:v15+s23+$0x0] =	vst.idx.add.f32.msk $0xffff, v7  }
0x9b: {  	s5 =	sadd.s32 s5, s13;
	[tilespmem:v14+s23+$0x0] =	vst.idx.add.f32.msk $0xffff, v10  }
0x9c: {  	v6 =	vld [tilespmem:s31+$0x60]  }
0x9d: {  	s13 =	sadd.s32 $0x12400, s5;
	[tilespmem:v8+s23+$0x0] =	vst.idx.add.f32.msk $0xffff, v17  }
0x9e: {  	v5 =	vld [tilespmem:s13+$0x60]  }
0x9f: {  	v10 =	vld [tilespmem:s31+$0x10]  }
0xa0: {  	v7 =	vshll.u32 v11, $0x3;
	v12 =	vld [tilespmem:s31+$0x40]  }
0xa1: {  	v13 =	vshll.u32 v18, $0x3;
	v15 =	vand.u32 $0xFFFFFC00, v7;
	v8 =	vld [tilespmem:s31+$0x30];
	v14 =	vshll.u32 v6, $0x3  }
0xa2: {  	v6 =	vand.u32 $0x7F, v6;
	v7 =	vand.u32 $0xFFFFFC00, v14;
	v14 =	vand.u32 $0x7F, v11;
	[tilespmem:v4+s23+$0x0] =	vst.idx.add.f32.msk $0xffff, v1  }
0xa3: {  	v16 =	vand.u32 $0x7F, v18;
	v4 =	vshll.u32 v9, $0x3;
	v1 =	vor.u32 v7, v6;
	[tilespmem:v19+s23+$0x0] =	vst.idx.add.f32.msk $0xffff, v3  }
0xa4: {  	v11 =	vshll.u32 v2, $0x3;
	v3 =	vand.u32 $0x7F, v9;
	v6 =	vld [tilespmem:s13+$0x40];
	v9 =	vor.u32 v0, v1  }
.Ltmp3:
0xa5: {  	v18 =	vand.u32 $0xFFFFFC00, v13;
	v17 =	vand.u32 $0x7F, v10;
	v19 =	vand.u32 $0x7F, v12;
	v1 =	vld [tilespmem:s13+$0x70];
	(pc) =	sbr.rel @p0 .LBB2_5-.Ltmp3, $4  }
0xa6: {  	v4 =	vand.u32 $0xFFFFFC00, v4;
	v20 =	vshll.u32 v12, $0x3;
	v12 =	vor.u32 v15, v14;
	v7 =	vld [tilespmem:s13+$0x20]  }
0xa7: {  	v13 =	vor.u32 v4, v3;
	v10 =	vshll.u32 v10, $0x3;
	v4 =	vor.u32 v0, v12;
	v3 =	vld [tilespmem:s13+$0x50]  }
0xa8: {  	v13 =	vor.u32 v0, v13;
	v14 =	vand.u32 $0xFFFFFC00, v10;
	v20 =	vand.u32 $0xFFFFFC00, v20;
	v12 =	vld [tilespmem:s5+$0x12400]  }
0xa9: {  	s12 =	sadd.s32 $0x1, s12;
	v15 =	vor.u32 v18, v16;
	v14 =	vor.u32 v14, v17;
	v16 =	vor.u32 v20, v19;
	v10 =	vld [tilespmem:s13+$0x10]  }
0xaa: {  	_ = 	snop  }
0xab: {  	v16 =	vor.u32 v0, v16  }
0xac: {  	v15 =	vor.u32 v0, v15  }
0xad: {  	v18 =	vld [tilespmem:s13+$0x30];
	v14 =	vor.u32 v0, v14  }
0xae: {  	v17 =	vshll.u32 v8, $0x3;
	[tilespmem:v9+s23+$0x0] =	vst.idx.add.f32.msk $0xffff, v5  }
0xaf: {  	v8 =	vand.u32 $0x7F, v8;
	v17 =	vand.u32 $0xFFFFFC00, v17;
	[tilespmem:v13+s23+$0x0] =	vst.idx.add.f32.msk $0xffff, v12  }
0xb0: {  	v2 =	vand.u32 $0x7F, v2;
	v11 =	vand.u32 $0xFFFFFC00, v11;
	v8 =	vor.u32 v17, v8;
	[tilespmem:v16+s23+$0x0] =	vst.idx.add.f32.msk $0xffff, v6  }
0xb1: {  	v2 =	vor.u32 v11, v2;
	v5 =	vor.u32 v0, v8;
	[tilespmem:v15+s23+$0x0] =	vst.idx.add.f32.msk $0xffff, v7  }
0xb2: {  	v0 =	vor.u32 v0, v2;
	[tilespmem:v14+s23+$0x0] =	vst.idx.add.f32.msk $0xffff, v10  }
0xb3: {  	s5 =	sshll.u32 s18, $0x5;
	s7 =	rddreg [dreg:$0x5]  }
0xb4: {  	s5 =	sadd.s32 s5, s7  }
0xb5: {  	[tilespmem:v4+s23+$0x0] =	vst.idx.add.f32.msk $0xffff, v1;
	s5 =	sshll.u32 s5, $0x8  }
0xb6: {  	[tilespmem:v5+s23+$0x0] =	vst.idx.add.f32.msk $0xffff, v18;
	s10 =	sadd.s32 s17, s5  }
0xb7: {  	p0 =	seq.s32 s18, $0xF;
	[tilespmem:v0+s23+$0x0] =	vst.idx.add.f32.msk $0xffff, v3;
	s5 =	sadd.s32 $0x800, s10  }
0xb8: {  	[hbm4b:s5+s6] =	stream.linear.scatter [tilespmem:s23], [sflag:$0xA], $0x4000, $0x38;
	[tilespmem:$0x18400] =	vst v63  }
0xb9: {  	s5 =	simm.s32 @!p0 $0x9  }
0xba: {  	s12 =	sadd.s32 @!p0 s20, s15;
	_ =	swait.ge @!p0 [sflag:s5], $0x4000  }
0xbb: {  	s13 =	sshll.u32 @!p0 s12, $0xB;
	[sflag:s5] =	ssyncset.done @!p0 $0x0  }
0xbc: {  	[sflag:s5] =	ssyncadd.s32 @!p0 $0xFFFFC000;
	s5 =	sand.u32 @!p0 $0x1FFFE000, s13  }
0xbd: {  	s26 =	simm.s32 @!p0 $0x400;
	s13 =	simm.s32 @!p0 $0x0;
	s5 =	sadd.s32 @!p0 s1, s5  }
0xbe: {  	[tilespmem:s26], [sflag:$0x1] =	stream.linear.gather @!p0 [hbm4b:s5+s13], $0x4000, $0x38;
	[tilespmem:$0x18400] =	vst v63  }
0xbf: {  	s5 =	sshll.u32 @!p0 s12, $0xA  }
0xc0: {  	s5 =	sand.u32 @!p0 $0x1FFFF000, s5  }
0xc1: {  	s12 =	simm.s32 @!p0 $0x10400;
	s5 =	sadd.s32 @!p0 s2, s5  }
0xc2: {  	[tilespmem:s12], [sflag:$0x5] =	stream.linear.gather @!p0 [hbm4b:s5+s13], $0x2000, $0x38;
	[tilespmem:$0x18400] =	vst v63  }
0xc3: {  	_ =	swait.ge [sflag:s3], $0x4000  }
0xc4: {  	[sflag:s3] =	ssyncset.done $0x0  }
0xc5: {  	[sflag:s3] =	ssyncadd.s32 $0xFFFFC000  }
0xc6: {  	s13 =	simm.s32 $0x0;
	_ =	swait.ge [sflag:s22], $0x2000  }
0xc7: {  	s5 =	sand.u32 $0x7, s13;
	[sflag:s22] =	ssyncset.done $0x0  }
0xc8: {  	s7 =	smov.u32 s17;
	s17 =	sshll.u32 s5, $0x7;
	[sflag:s22] =	ssyncadd.s32 $0xFFFFE000  }
0xc9: {  	v1 =	vld [tilespmem:s17+$0x70]  }
0xca: {  	v3 =	vld [tilespmem:s17+$0x20]  }
0xcb: {  	v5 =	vld [tilespmem:s17+$0x60]  }
0xcc: {  	s26 =	simm.s32 $0x0;
	v6 =	vld [tilespmem:s17+$0x0]  }
0xcd: {  	v0 =	vmov s26;
	v10 =	vld [tilespmem:s17+$0x10]  }
0xce: {  	s31 =	simm.s32 $0x0;
	v0 =	vshll.u32 v0, $0x7;
	v12 =	vld [tilespmem:s17+$0x40]  }
0xcf: {  	v0 =	vand.u32 $0x380, v0;
	s13 =	sand.u32 $0x3FFFFF80, s31;
	s5 =	sshll.u32 s5, $0xA  }
0xd0: {  	v0 =	vbroadcast v0, $0x0;
	s5 =	sadd.s32 s13, s5;
	v4 =	vshll.u32 v1, $0x3;
	v7 =	vshll.u32 v3, $0x3  }
0xd1: {  	s26 =	sadd.s32 $0x14400, s5;
	v2 =	vld [tilespmem:s17+$0x50];
	v8 =	vshll.u32 v5, $0x3;
	v5 =	vand.u32 $0x7F, v5;
	v14 =	vand.u32 $0x7F, v1  }
0xd2: {  	v15 =	vshll.u32 v6, $0x3;
	v16 =	vand.u32 $0x7F, v3;
	v3 =	vand.u32 $0x7F, v6;
	v6 =	vld [tilespmem:s26+$0x40]  }
0xd3: {  	v17 =	vand.u32 $0x7F, v10;
	v19 =	vand.u32 $0x7F, v12;
	v13 =	vand.u32 $0xFFFFFC00, v4;
	v4 =	vld [tilespmem:s26+$0x60]  }
0xd4: {  	v10 =	vshll.u32 v10, $0x3;
	v9 =	vand.u32 $0xFFFFFC00, v8;
	v8 =	vld [tilespmem:s17+$0x30];
	v18 =	vand.u32 $0xFFFFFC00, v7  }
0xd5: {  	v7 =	vld [tilespmem:s26+$0x20];
	v1 =	vor.u32 v9, v5;
	v5 =	vand.u32 $0xFFFFFC00, v15;
	v15 =	vshll.u32 v12, $0x3  }
0xd6: {  	v12 =	vor.u32 v13, v14;
	v14 =	vand.u32 $0xFFFFFC00, v10;
	v10 =	vld [tilespmem:s26+$0x10];
	v9 =	vor.u32 v0, v1  }
0xd7: {  	v11 =	vshll.u32 v2, $0x3;
	v1 =	vld [tilespmem:s26+$0x70];
	v13 =	vor.u32 v5, v3  }
0xd8: {  	v3 =	vld [tilespmem:s26+$0x50];
	v5 =	vor.u32 v0, v12;
	v20 =	vand.u32 $0xFFFFFC00, v15;
	v14 =	vor.u32 v14, v17  }
0xd9: {  	s12 =	simm.s32 $0x0;
	s13 =	simm.s32 $0x1;
	v12 =	vld [tilespmem:s5+$0x14400];
	v15 =	vor.u32 v18, v16;
	v13 =	vor.u32 v0, v13;
	v16 =	vor.u32 v20, v19  }
.LBB2_7:
0xda: {  	s12 =	sadd.s32 $0x8, s12;
	s5 =	sand.u32 $0x7, s13;
	v17 =	vld [tilespmem:s26+$0x30];
	v18 =	vshll.u32 v8, $0x3;
	v2 =	vand.u32 $0x7F, v2;
	v11 =	vand.u32 $0xFFFFFC00, v11  }
0xdb: {  	v8 =	vand.u32 $0x7F, v8;
	v16 =	vor.u32 v0, v16;
	s26 =	sshrl.u32 s12, $0x6;
	s31 =	sshll.u32 s5, $0x7;
	s17 =	sshll.u32 s12, $0x1;
	v18 =	vand.u32 $0xFFFFFC00, v18;
	[tilespmem:v9+s25+$0x0] =	vst.idx.add.f32.msk $0xffff, v4  }
0xdc: {  	p1 =	slt.u32 s12, $0x1F8;
	v2 =	vor.u32 v11, v2;
	v9 =	vld [tilespmem:s31+$0x0];
	s17 =	sand.u32 $0x3FFFFF80, s17;
	v4 =	vmov s26;
	v8 =	vor.u32 v18, v8  }
0xdd: {  	v15 =	vor.u32 v0, v15;
	v4 =	vshll.u32 v4, $0x7;
	v11 =	vld [tilespmem:s31+$0x70];
	v8 =	vor.u32 v0, v8  }
0xde: {  	v14 =	vor.u32 v0, v14;
	v19 =	vor.u32 v0, v2;
	v4 =	vand.u32 $0x380, v4;
	v18 =	vld [tilespmem:s31+$0x20]  }
0xdf: {  	[tilespmem:v13+s25+$0x0] =	vst.idx.add.f32.msk $0xffff, v12  }
0xe0: {  	[tilespmem:v16+s25+$0x0] =	vst.idx.add.f32.msk $0xffff, v6  }
0xe1: {  	v0 =	vbroadcast v4, $0x0;
	v2 =	vld [tilespmem:s31+$0x50]  }
0xe2: {  	s5 =	sshll.u32 s5, $0xA;
	[tilespmem:v15+s25+$0x0] =	vst.idx.add.f32.msk $0xffff, v7  }
0xe3: {  	s5 =	sadd.s32 s17, s5;
	[tilespmem:v14+s25+$0x0] =	vst.idx.add.f32.msk $0xffff, v10  }
0xe4: {  	v6 =	vld [tilespmem:s31+$0x60]  }
0xe5: {  	s26 =	sadd.s32 $0x14400, s5;
	[tilespmem:v8+s25+$0x0] =	vst.idx.add.f32.msk $0xffff, v17  }
0xe6: {  	v4 =	vld [tilespmem:s26+$0x60]  }
0xe7: {  	v10 =	vld [tilespmem:s31+$0x10]  }
0xe8: {  	v7 =	vshll.u32 v11, $0x3;
	v12 =	vld [tilespmem:s31+$0x40]  }
0xe9: {  	v13 =	vshll.u32 v18, $0x3;
	v15 =	vand.u32 $0xFFFFFC00, v7;
	v8 =	vld [tilespmem:s31+$0x30];
	v14 =	vshll.u32 v6, $0x3  }
0xea: {  	v6 =	vand.u32 $0x7F, v6;
	v7 =	vand.u32 $0xFFFFFC00, v14;
	v14 =	vand.u32 $0x7F, v11;
	[tilespmem:v5+s25+$0x0] =	vst.idx.add.f32.msk $0xffff, v1  }
0xeb: {  	v16 =	vand.u32 $0x7F, v18;
	v5 =	vshll.u32 v9, $0x3;
	v1 =	vor.u32 v7, v6;
	[tilespmem:v19+s25+$0x0] =	vst.idx.add.f32.msk $0xffff, v3  }
0xec: {  	v11 =	vshll.u32 v2, $0x3;
	v3 =	vand.u32 $0x7F, v9;
	v6 =	vld [tilespmem:s26+$0x40];
	v9 =	vor.u32 v0, v1  }
.Ltmp4:
0xed: {  	v18 =	vand.u32 $0xFFFFFC00, v13;
	v17 =	vand.u32 $0x7F, v10;
	v19 =	vand.u32 $0x7F, v12;
	v1 =	vld [tilespmem:s26+$0x70];
	(pc) =	sbr.rel @p1 .LBB2_7-.Ltmp4, $4  }
0xee: {  	v5 =	vand.u32 $0xFFFFFC00, v5;
	v20 =	vshll.u32 v12, $0x3;
	v12 =	vor.u32 v15, v14;
	v7 =	vld [tilespmem:s26+$0x20]  }
0xef: {  	v13 =	vor.u32 v5, v3;
	v10 =	vshll.u32 v10, $0x3;
	v5 =	vor.u32 v0, v12;
	v3 =	vld [tilespmem:s26+$0x50]  }
0xf0: {  	v13 =	vor.u32 v0, v13;
	v14 =	vand.u32 $0xFFFFFC00, v10;
	v20 =	vand.u32 $0xFFFFFC00, v20;
	v12 =	vld [tilespmem:s5+$0x14400]  }
0xf1: {  	s13 =	sadd.s32 $0x1, s13;
	v15 =	vor.u32 v18, v16;
	v14 =	vor.u32 v14, v17;
	v16 =	vor.u32 v20, v19;
	v10 =	vld [tilespmem:s26+$0x10]  }
0xf2: {  	_ =	sdelay $0x1  }
0xf3: {  	v17 =	vshll.u32 v8, $0x3;
	v16 =	vor.u32 v0, v16;
	v8 =	vand.u32 $0x7F, v8  }
0xf4: {  	v15 =	vor.u32 v0, v15;
	v18 =	vld [tilespmem:s26+$0x30];
	v14 =	vor.u32 v0, v14;
	v17 =	vand.u32 $0xFFFFFC00, v17  }
0xf5: {  	v2 =	vand.u32 $0x7F, v2;
	v11 =	vand.u32 $0xFFFFFC00, v11;
	[tilespmem:v9+s25+$0x0] =	vst.idx.add.f32.msk $0xffff, v4;
	v8 =	vor.u32 v17, v8  }
0xf6: {  	[tilespmem:v5+s25+$0x0] =	vst.idx.add.f32.msk $0xffff, v1;
	v2 =	vor.u32 v11, v2;
	v4 =	vor.u32 v0, v8  }
0xf7: {  	[tilespmem:v13+s25+$0x0] =	vst.idx.add.f32.msk $0xffff, v12;
	v0 =	vor.u32 v0, v2  }
0xf8: {  	[tilespmem:v16+s25+$0x0] =	vst.idx.add.f32.msk $0xffff, v6  }
0xf9: {  	[tilespmem:v15+s25+$0x0] =	vst.idx.add.f32.msk $0xffff, v7  }
0xfa: {  	[tilespmem:v14+s25+$0x0] =	vst.idx.add.f32.msk $0xffff, v10  }
0xfb: {  	[tilespmem:v4+s25+$0x0] =	vst.idx.add.f32.msk $0xffff, v18  }
0xfc: {  	s5 =	sadd.s32 $0x1000, s10;
	[tilespmem:v0+s25+$0x0] =	vst.idx.add.f32.msk $0xffff, v3  }
0xfd: {  	[hbm4b:s5+s6] =	stream.linear.scatter [tilespmem:s25], [sflag:$0xB], $0x4000, $0x38;
	[tilespmem:$0x18400] =	vst v63  }
0xfe: {  	s5 =	simm.s32 @!p0 $0xA  }
0xff: {  	_ =	swait.ge @!p0 [sflag:s5], $0x4000  }
0x100: {  	s10 =	sadd.s32 @!p0 s20, s16;
	[sflag:s5] =	ssyncset.done @!p0 $0x0  }
0x101: {  	[sflag:s5] =	ssyncadd.s32 @!p0 $0xFFFFC000;
	s5 =	sshll.u32 @!p0 s10, $0xB  }
0x102: {  	s12 =	simm.s32 @!p0 $0x0;
	s13 =	simm.s32 @!p0 $0x4400;
	s5 =	sadd.s32 @!p0 s1, s5  }
0x103: {  	[tilespmem:s13], [sflag:$0x2] =	stream.linear.gather @!p0 [hbm4b:s5+s12], $0x4000, $0x38;
	[tilespmem:$0x18400] =	vst v63  }
0x104: {  	s5 =	sshll.u32 @!p0 s10, $0xA  }
0x105: {  	s10 =	simm.s32 @!p0 $0x12400;
	s5 =	sadd.s32 @!p0 s2, s5  }
0x106: {  	[tilespmem:s10], [sflag:$0x6] =	stream.linear.gather @!p0 [hbm4b:s5+s12], $0x2000, $0x38;
	[tilespmem:$0x18400] =	vst v63  }
0x107: {  	_ =	swait.ge [sflag:s24], $0x4000  }
0x108: {  	[sflag:s24] =	ssyncset.done $0x0  }
0x109: {  	[sflag:s24] =	ssyncadd.s32 $0xFFFFC000  }
0x10a: {  	s13 =	simm.s32 $0x0;
	_ =	swait.ge [sflag:s8], $0x2000  }
0x10b: {  	s5 =	sand.u32 $0x7, s13;
	[sflag:s8] =	ssyncset.done $0x0  }
0x10c: {  	s17 =	sshll.u32 s5, $0x7;
	[sflag:s8] =	ssyncadd.s32 $0xFFFFE000  }
0x10d: {  	v1 =	vld [tilespmem:s17+$0x70]  }
0x10e: {  	v3 =	vld [tilespmem:s17+$0x20]  }
0x10f: {  	v5 =	vld [tilespmem:s17+$0x60]  }
0x110: {  	s26 =	simm.s32 $0x0;
	v6 =	vld [tilespmem:s17+$0x0]  }
0x111: {  	v0 =	vmov s26;
	v10 =	vld [tilespmem:s17+$0x10]  }
0x112: {  	s31 =	simm.s32 $0x0;
	v0 =	vshll.u32 v0, $0x7;
	v12 =	vld [tilespmem:s17+$0x40]  }
0x113: {  	v0 =	vand.u32 $0x380, v0;
	s12 =	sand.u32 $0x3FFFFF80, s31;
	s5 =	sshll.u32 s5, $0xA  }
0x114: {  	v0 =	vbroadcast v0, $0x0;
	s5 =	sadd.s32 s12, s5;
	v4 =	vshll.u32 v1, $0x3;
	v7 =	vshll.u32 v3, $0x3  }
0x115: {  	s13 =	sadd.s32 $0x16400, s5;
	v2 =	vld [tilespmem:s17+$0x50];
	v8 =	vshll.u32 v5, $0x3;
	v5 =	vand.u32 $0x7F, v5;
	v14 =	vand.u32 $0x7F, v1  }
0x116: {  	v15 =	vshll.u32 v6, $0x3;
	v16 =	vand.u32 $0x7F, v3;
	v3 =	vand.u32 $0x7F, v6;
	v6 =	vld [tilespmem:s13+$0x40]  }
0x117: {  	v17 =	vand.u32 $0x7F, v10;
	v19 =	vand.u32 $0x7F, v12;
	v13 =	vand.u32 $0xFFFFFC00, v4;
	v4 =	vld [tilespmem:s13+$0x60]  }
0x118: {  	v10 =	vshll.u32 v10, $0x3;
	v9 =	vand.u32 $0xFFFFFC00, v8;
	v8 =	vld [tilespmem:s17+$0x30];
	v18 =	vand.u32 $0xFFFFFC00, v7  }
0x119: {  	v7 =	vld [tilespmem:s13+$0x20];
	v1 =	vor.u32 v9, v5;
	v5 =	vand.u32 $0xFFFFFC00, v15;
	v15 =	vshll.u32 v12, $0x3  }
0x11a: {  	v12 =	vor.u32 v13, v14;
	v14 =	vand.u32 $0xFFFFFC00, v10;
	v10 =	vld [tilespmem:s13+$0x10];
	v9 =	vor.u32 v0, v1  }
0x11b: {  	v11 =	vshll.u32 v2, $0x3;
	v1 =	vld [tilespmem:s13+$0x70];
	v13 =	vor.u32 v5, v3  }
0x11c: {  	v3 =	vld [tilespmem:s13+$0x50];
	v5 =	vor.u32 v0, v12;
	v20 =	vand.u32 $0xFFFFFC00, v15;
	v14 =	vor.u32 v14, v17  }
0x11d: {  	s10 =	simm.s32 $0x0;
	s12 =	simm.s32 $0x1;
	v12 =	vld [tilespmem:s5+$0x16400];
	v15 =	vor.u32 v18, v16;
	v13 =	vor.u32 v0, v13;
	v16 =	vor.u32 v20, v19  }
.LBB2_9:
0x11e: {  	s10 =	sadd.s32 $0x8, s10;
	s5 =	sand.u32 $0x7, s12;
	v17 =	vld [tilespmem:s13+$0x30];
	v18 =	vshll.u32 v8, $0x3;
	v2 =	vand.u32 $0x7F, v2;
	v11 =	vand.u32 $0xFFFFFC00, v11  }
0x11f: {  	v8 =	vand.u32 $0x7F, v8;
	v16 =	vor.u32 v0, v16;
	s13 =	sshrl.u32 s10, $0x6;
	s17 =	sshll.u32 s5, $0x7;
	s26 =	sshll.u32 s10, $0x1;
	v18 =	vand.u32 $0xFFFFFC00, v18;
	[tilespmem:v9+s30+$0x0] =	vst.idx.add.f32.msk $0xffff, v4  }
0x120: {  	p1 =	slt.u32 s10, $0x1F8;
	v2 =	vor.u32 v11, v2;
	v9 =	vld [tilespmem:s17+$0x0];
	s26 =	sand.u32 $0x3FFFFF80, s26;
	v4 =	vmov s13;
	v8 =	vor.u32 v18, v8  }
0x121: {  	v15 =	vor.u32 v0, v15;
	v4 =	vshll.u32 v4, $0x7;
	v11 =	vld [tilespmem:s17+$0x70];
	v8 =	vor.u32 v0, v8  }
0x122: {  	v14 =	vor.u32 v0, v14;
	v19 =	vor.u32 v0, v2;
	v4 =	vand.u32 $0x380, v4;
	v18 =	vld [tilespmem:s17+$0x20]  }
0x123: {  	[tilespmem:v13+s30+$0x0] =	vst.idx.add.f32.msk $0xffff, v12  }
0x124: {  	[tilespmem:v16+s30+$0x0] =	vst.idx.add.f32.msk $0xffff, v6  }
0x125: {  	v0 =	vbroadcast v4, $0x0;
	v2 =	vld [tilespmem:s17+$0x50]  }
0x126: {  	s5 =	sshll.u32 s5, $0xA;
	[tilespmem:v15+s30+$0x0] =	vst.idx.add.f32.msk $0xffff, v7  }
0x127: {  	s5 =	sadd.s32 s26, s5;
	[tilespmem:v14+s30+$0x0] =	vst.idx.add.f32.msk $0xffff, v10  }
0x128: {  	v6 =	vld [tilespmem:s17+$0x60]  }
0x129: {  	s13 =	sadd.s32 $0x16400, s5;
	[tilespmem:v8+s30+$0x0] =	vst.idx.add.f32.msk $0xffff, v17  }
0x12a: {  	v4 =	vld [tilespmem:s13+$0x60]  }
0x12b: {  	v10 =	vld [tilespmem:s17+$0x10]  }
0x12c: {  	v7 =	vshll.u32 v11, $0x3;
	v12 =	vld [tilespmem:s17+$0x40]  }
0x12d: {  	v13 =	vshll.u32 v18, $0x3;
	v15 =	vand.u32 $0xFFFFFC00, v7;
	v8 =	vld [tilespmem:s17+$0x30];
	v14 =	vshll.u32 v6, $0x3  }
0x12e: {  	v6 =	vand.u32 $0x7F, v6;
	v7 =	vand.u32 $0xFFFFFC00, v14;
	v14 =	vand.u32 $0x7F, v11;
	[tilespmem:v5+s30+$0x0] =	vst.idx.add.f32.msk $0xffff, v1  }
0x12f: {  	v16 =	vand.u32 $0x7F, v18;
	v5 =	vshll.u32 v9, $0x3;
	v1 =	vor.u32 v7, v6;
	[tilespmem:v19+s30+$0x0] =	vst.idx.add.f32.msk $0xffff, v3  }
0x130: {  	v11 =	vshll.u32 v2, $0x3;
	v3 =	vand.u32 $0x7F, v9;
	v6 =	vld [tilespmem:s13+$0x40];
	v9 =	vor.u32 v0, v1  }
.Ltmp5:
0x131: {  	v18 =	vand.u32 $0xFFFFFC00, v13;
	v17 =	vand.u32 $0x7F, v10;
	v19 =	vand.u32 $0x7F, v12;
	v1 =	vld [tilespmem:s13+$0x70];
	(pc) =	sbr.rel @p1 .LBB2_9-.Ltmp5, $4  }
0x132: {  	v5 =	vand.u32 $0xFFFFFC00, v5;
	v20 =	vshll.u32 v12, $0x3;
	v12 =	vor.u32 v15, v14;
	v7 =	vld [tilespmem:s13+$0x20]  }
0x133: {  	v13 =	vor.u32 v5, v3;
	v10 =	vshll.u32 v10, $0x3;
	v5 =	vor.u32 v0, v12;
	v3 =	vld [tilespmem:s13+$0x50]  }
0x134: {  	v13 =	vor.u32 v0, v13;
	v14 =	vand.u32 $0xFFFFFC00, v10;
	v20 =	vand.u32 $0xFFFFFC00, v20;
	v12 =	vld [tilespmem:s5+$0x16400]  }
0x135: {  	s12 =	sadd.s32 $0x1, s12;
	v15 =	vor.u32 v18, v16;
	v14 =	vor.u32 v14, v17;
	v16 =	vor.u32 v20, v19;
	v10 =	vld [tilespmem:s13+$0x10]  }
0x136: {  	_ =	sdelay $0x1  }
0x137: {  	v17 =	vshll.u32 v8, $0x3;
	v16 =	vor.u32 v0, v16;
	v61 =	vand.u32 $0x7F, v8  }
0x138: {  	v15 =	vor.u32 v0, v15;
	v18 =	vld [tilespmem:s13+$0x30];
	v2 =	vand.u32 $0x7F, v2;
	v11 =	vand.u32 $0xFFFFFC00, v11  }
0x139: {  	v14 =	vor.u32 v0, v14;
	[tilespmem:v9+s30+$0x0] =	vst.idx.add.f32.msk $0xffff, v4;
	v17 =	vand.u32 $0xFFFFFC00, v17;
	v2 =	vor.u32 v11, v2  }
0x13a: {  	[tilespmem:v5+s30+$0x0] =	vst.idx.add.f32.msk $0xffff, v1;
	v8 =	vor.u32 v17, v61;
	v63 =	vor.u32 v0, v2  }
0x13b: {  	v62 =	vor.u32 v0, v8;
	[tilespmem:v13+s30+$0x0] =	vst.idx.add.f32.msk $0xffff, v12  }
0x13c: {  	[tilespmem:v16+s30+$0x0] =	vst.idx.add.f32.msk $0xffff, v6  }
.Ltmp6:
0x13d: {  	[tilespmem:v15+s30+$0x0] =	vst.idx.add.f32.msk $0xffff, v7;
	(pc) =	sbr.rel @p0 .LBB2_12-.Ltmp6, $4  }
0x13e: {  	[tilespmem:v14+s30+$0x0] =	vst.idx.add.f32.msk $0xffff, v10  }
0x13f: {  	[tilespmem:v63+s30+$0x0] =	vst.idx.add.f32.msk $0xffff, v3  }
0x140: {  	s17 =	smov.u32 s7;
	s5 =	sadd.s32 s7, s9;
	[tilespmem:v62+s30+$0x0] =	vst.idx.add.f32.msk $0xffff, v18  }
0x141: {  	[hbm4b:s5+s6] =	stream.linear.scatter [tilespmem:s30], [sflag:$0xC], $0x4000, $0x38;
	[tilespmem:$0x18400] =	vst v63  }
0x142: {  	s5 =	rddreg [dreg:$0xc]  }
0x143: {  	_ =	swait.ge [sflag:s11], $0x4000;
	s5 =	sadd.s32 s20, s5  }
0x144: {  	[sflag:s11] =	ssyncset.done $0x0;
	s9 =	sshll.u32 s5, $0xB  }
.Ltmp7:
0x145: {  	s5 =	sshll.u32 s5, $0xA;
	s9 =	sand.u32 $0x1FFFF000, s9;
	(pc) =	sbr.rel .LBB2_2-.Ltmp7, $4  }
0x146: {  	[sflag:s11] =	ssyncadd.s32 $0xFFFFC000;
	s5 =	sand.u32 $0x1FFFF800, s5;
	s9 =	sadd.s32 s1, s9  }
0x147: {  	[tilespmem:s25], [sflag:$0x3] =	stream.linear.gather [hbm4b:s9+s6], $0x4000, $0x38;
	[tilespmem:$0x18400] =	vst v63  }
0x148: {  	s7 =	simm.s32 $0x14400;
	s18 =	sadd.s32 $0x1, s18;
	s5 =	sadd.s32 s2, s5  }
0x149: {  	[tilespmem:s7], [sflag:$0x7] =	stream.linear.gather [hbm4b:s5+s6], $0x2000, $0x38;
	[tilespmem:$0x18400] =	vst v63  }
.LBB2_13:
0x14a: {  	_ =	sfence.sel $0x180000  }
0x14b: {  	[bflag:$0x0] =	sbarrier.arrive $0xFFFF  }
0x14c: {  	_ =	strace $0x90000047  }
0x14d: {  	s0 =	stileid.u32;
	[bflag:$0x2] =	sbarrier.arrive $0xFFFF  }
0x14e: {  	p0 =	sne.s32 s0, $0x0;
	s0 =	rddreg [dreg:$0x4]  }
0x14f: {  	s0 =	sadd.s32 @!p0 $0x100000, s0  }
0x150: {  	[sflag:s0] =	ssyncadd.tile.s32 @!p0 $0x1;
	_ =	shalt  }
.Lfunc_end2:
_tile_overlayer_lowered:
.L_overlay_start_2:
0x151: {  	(tag) =	ssettag $0x2  }
0x152: {  	s0 =	rddreg [dreg:$0x0];
	s2 =	stileid.u32  }
0x153: {  	s1 =	rddreg [dreg:$0x1];
	p0 =	sne.s32 s2, $0x0  }
0x154: {  	s3 =	rddreg [dreg:$0x2];
	[bflag:$0x3] =	sbarrier.arrive $0xFFFF;
	s2 =	simm.s32 @!p0 $0x1C0D  }
0x155: {  	[timem:s3], [sflag:s2] =	dma.local @!p0 [hbm:s0], s1  }
0x156: {  	s0 =	simm.s32 @!p0 $0xD  }
0x157: {  	_ =	swait.ge @!p0 [sflag:s0], s1  }
0x158: {  	s1 =	ssub.s32 @!p0 $0x0, s1;
	[sflag:s0] =	ssyncset.done @!p0 $0x0  }
0x159: {  	[sflag:s0] =	ssyncadd.s32 @!p0 s1  }
0x15a: {  	[bflag:$0x3] =	sbarrier.arrive $0xFFFF  }
0x15b: {  	_ =	shalt  }

</sc_bundles>
